<compile_context>
chip_gen: v7x
topology: tpu7x:2x2x1
jax: 0.10.2.dev20260603
libtpu: 0.0.44.dev20260713+nightly
codegen_flags: <defaults>
</compile_context>

<pallas_src>
import functools

import jax
import jax.numpy as jnp
from jax import lax
from jax.experimental import pallas as pl
from jax.experimental.pallas import tpu as pltpu
from jax.experimental.pallas import tpu_sc as plsc

_S = 1024
_A = 4
_ROWS = 256
_PAD = 128
_MLP_LANES = 512


def _leaky(x):
    return jnp.where(x >= 0, x, 0.2 * x)


def _top4(d, n_cols):
    iota = lax.broadcasted_iota(jnp.int32, d.shape, 1)
    vals, idxs = [], []
    for _ in range(4):
        m = jnp.min(d, axis=1, keepdims=True)
        idx = jnp.min(jnp.where(d == m, iota, n_cols), axis=1, keepdims=True)
        d = jnp.where(iota == idx, jnp.inf, d)
        vals.append(m)
        idxs.append(idx)
    return jnp.concatenate(vals, axis=1), jnp.concatenate(idxs, axis=1)


def _knn_body(xs_ref, xt_ref, xst_ref, vals_ref, idx_ref):
    b = pl.program_id(0)
    xsb = xs_ref[0]
    xb = xt_ref[0]
    xsall = xst_ref[0]
    n = xb.shape[1]
    s = xsall.shape[1]
    sqs = jnp.sum(xsb * xsb, axis=1, keepdims=True)
    sqn = jnp.sum(xb * xb, axis=0, keepdims=True)
    sqss = jnp.sum(xsall * xsall, axis=0, keepdims=True)
    dims = (((1,), (0,)), ((), ()))
    dotb = lax.dot_general(xsb, xb, dims,
                           preferred_element_type=jnp.float32)
    dota = lax.dot_general(xsb, xsall, dims,
                           preferred_element_type=jnp.float32)
    db = jnp.sqrt(jnp.maximum((sqs + sqn) - 2.0 * dotb, 0.0) + 1e-8)
    da = jnp.sqrt(jnp.maximum((sqs + sqss) - 2.0 * dota, 0.0) + 1e-8)
    vb, ib = _top4(db, n)
    va, ia = _top4(da, s)
    base = b * n
    vals_ref[0, :, :] = jnp.concatenate([vb, va], axis=1)
    gi = jnp.concatenate([ib + base, ia * (n // s) + base], axis=1)
    idx_ref[...] = jnp.transpose(gi)


def _mlp_body(g3_ref, nd_ref, f_ref, w1_ref, b1_ref, w2_ref,
              b2_ref, w3a_ref, w3b_ref, b3_ref, out_ref):
    nd = nd_ref[...]
    coords = [g3_ref[p, :, 0:3] for p in range(8)]
    sq = [jnp.sum(c * c, axis=1, keepdims=True) for c in coords]
    L = nd.shape[0]
    C = min(L, 256)
    eye = (lax.broadcasted_iota(jnp.int32, (C, C), 0)
           == lax.broadcasted_iota(jnp.int32, (C, C), 1)).astype(jnp.float32)
    dims_t = (((1,), (1,)), ((), ()))
    dims = (((1,), (0,)), ((), ()))

    def dist(u, v):
        parts = []
        for c0 in range(0, L, C):
            mm = lax.dot_general(coords[u][c0:c0 + C], coords[v][c0:c0 + C],
                                 dims_t, preferred_element_type=jnp.float32)
            parts.append(jnp.sum(mm * eye, axis=1, keepdims=True))
        duv = jnp.concatenate(parts, axis=0)
        return jnp.sqrt(jnp.maximum((sq[u] + sq[v]) - 2.0 * duv, 0.0) + 1e-8)

    cols = [nd[:, 1:2], nd[:, 2:3], nd[:, 3:4],
            dist(1, 2), dist(1, 3), dist(2, 3),
            nd[:, 5:6], nd[:, 6:7], nd[:, 7:8],
            dist(5, 6), dist(5, 7), dist(6, 7)]
    for i in range(4):
        for j in range(4):
            cols.append(dist(i, 4 + j))
    fea = jnp.concatenate(cols, axis=1)

    h = _leaky(lax.dot_general(fea, w1_ref[...], dims,
                               preferred_element_type=jnp.float32)
               + b1_ref[...])
    h = _leaky(lax.dot_general(h, w2_ref[...], dims,
                               preferred_element_type=jnp.float32)
               + b2_ref[...])
    o = (lax.dot_general(f_ref[...], w3a_ref[...], dims,
                         preferred_element_type=jnp.float32)
         + lax.dot_general(h, w3b_ref[...], dims,
                           preferred_element_type=jnp.float32)
         + b3_ref[...])
    out_ref[...] = _leaky(o)


def _build_gather(n_rows, width):
    info = plsc.get_sparse_core_info()
    nw = info.num_cores * info.num_subcores
    b_per_w = n_rows // nw
    mesh = plsc.VectorSubcoreMesh(core_axis_name="c", subcore_axis_name="s")

    @functools.partial(
        pl.kernel, mesh=mesh,
        out_type=jax.ShapeDtypeStruct((n_rows, width), jnp.float32),
        scratch_types=[
            pltpu.VMEM((b_per_w,), jnp.int32),
            pltpu.VMEM((b_per_w, width), jnp.float32),
            pltpu.SemaphoreType.DMA,
        ],
    )
    def gather_k(table_hbm, idx_hbm, out_hbm, idx_v, rows_v, sem):
        wid = lax.axis_index("s") * info.num_cores + lax.axis_index("c")
        base = wid * b_per_w
        pltpu.sync_copy(idx_hbm.at[pl.ds(base, b_per_w)], idx_v)
        pltpu.async_copy(table_hbm.at[idx_v], rows_v, sem).wait()
        pltpu.sync_copy(rows_v, out_hbm.at[pl.ds(base, b_per_w)])

    return gather_k


def kernel(xyz, feature, W1, b1, W2, b2, W3, b3):
    B, N, _ = xyz.shape
    S = _S
    stride = N // S
    Cin = feature.shape[2]
    T = W1.shape[1]
    Cout = W3.shape[1]

    xs = xyz[:, ::stride, :]
    xT = jnp.transpose(xyz, (0, 2, 1))
    xsT = jnp.transpose(xs, (0, 2, 1))
    table = jnp.pad(xyz.reshape(B * N, 3), ((0, 0), (0, _PAD - 3)))
    f = feature[:, ::stride, :].reshape(B * S, Cin)

    knn = pl.pallas_call(
        _knn_body,
        grid=(B, S // _ROWS),
        in_specs=[
            pl.BlockSpec((1, _ROWS, 3), lambda b, i: (b, i, 0)),
            pl.BlockSpec((1, 3, N), lambda b, i: (b, 0, 0)),
            pl.BlockSpec((1, 3, S), lambda b, i: (b, 0, 0)),
        ],
        out_specs=[
            pl.BlockSpec((1, _ROWS, 8), lambda b, i: (b, i, 0)),
            pl.BlockSpec((8, _ROWS), lambda b, i: (0, b * (_S // _ROWS) + i)),
        ],
        out_shape=[
            jax.ShapeDtypeStruct((B, S, 8), jnp.float32),
            jax.ShapeDtypeStruct((8, B * S), jnp.int32),
        ],
    )
    vals, idxs = knn(xs, xT, xsT)

    gath = _build_gather(B * S * 8, _PAD)(table, idxs.reshape(B * S * 8))
    g3 = gath.reshape(8, B * S, _PAD)
    nd = vals.reshape(B * S, 8)

    L = _MLP_LANES
    mlp = pl.pallas_call(
        _mlp_body,
        grid=(B * S // L,),
        in_specs=[
            pl.BlockSpec((8, L, _PAD), lambda j: (0, j, 0)),
            pl.BlockSpec((L, 8), lambda j: (j, 0)),
            pl.BlockSpec((L, Cin), lambda j: (j, 0)),
            pl.BlockSpec((W1.shape[0], T), lambda j: (0, 0)),
            pl.BlockSpec((1, T), lambda j: (0, 0)),
            pl.BlockSpec((T, T), lambda j: (0, 0)),
            pl.BlockSpec((1, T), lambda j: (0, 0)),
            pl.BlockSpec((Cin, Cout), lambda j: (0, 0)),
            pl.BlockSpec((T, Cout), lambda j: (0, 0)),
            pl.BlockSpec((1, Cout), lambda j: (0, 0)),
        ],
        out_specs=pl.BlockSpec((L, Cout), lambda j: (j, 0)),
        out_shape=jax.ShapeDtypeStruct((B * S, Cout), jnp.float32),
    )
    out = mlp(g3, nd, f, W1, b1[None, :], W2, b2[None, :],
              W3[:Cin], W3[Cin:], b3[None, :])
    return out.reshape(B, S, Cout)

# --- scband reference (transcript-rebuilt; emitter-appended) ---
"""Pipeline reference for scband-transition-down-with-dist-fea-65592740544740 (READ-ONLY COPY).

The authoritative reference and input builder live on the scoring server;
editing this copy changes nothing except your own understanding.
"""

import jax, jax.numpy as jnp
import numpy as np
from itertools import combinations

ANCHOR_POINTS = 4
NSAMPLE = 1024

def leaky(x):
    return jnp.where(x >= 0, x, 0.2 * x)

def pairwise_dists(x):
    sq = jnp.sum(x * x, axis=-1)
    d2 = sq[:, :, None] + sq[:, None, :] - 2.0 * jnp.einsum('bnc,bmc->bnm', x, x)
    return jnp.sqrt(jnp.maximum(d2, 0.0) + 1e-8)

def index_points(points, idx):
    B = points.shape[0]
    flat = idx.reshape(B, -1)
    out = jnp.take_along_axis(points, flat[:, :, None], axis=1)
    return out.reshape(idx.shape + (points.shape[-1],))

def index_dists(D, ia, ib):
    return jax.vmap(lambda d, a, b: d[a, b])(D, ia, ib)

def gen_intra(D, A):
    # A nearest anchors (incl. self) via smallest distances
    neg_nd, ni = jax.lax.top_k(-D, A)
    nd = -neg_nd
    parts = [nd[:, :, 1:]]
    for pi, pj in combinations(range(1, A), 2):
        parts.append(index_dists(D, ni[:, :, pi], ni[:, :, pj])[:, :, None])
    return jnp.concatenate(parts, axis=2), ni

def setup_inputs(seed: int = 0):
    key = jax.random.key(seed)
    ks = jax.random.split(key, 8)
    B, N, Cin, T, Cout = 2, 4096, 256, 128, 512
    A = ANCHOR_POINTS
    c1 = A * (A - 1) // 2 * 2 + A * A
    xyz = jax.random.normal(ks[0], (B, N, 3), dtype=jnp.float32)
    feature = jax.random.normal(ks[1], (B, N, Cin), dtype=jnp.float32)
    W1 = jax.random.normal(ks[2], (c1, T), dtype=jnp.float32) / np.sqrt(c1)
    b1 = jnp.zeros((T,), dtype=jnp.float32)
    W2 = jax.random.normal(ks[3], (T, T), dtype=jnp.float32) / np.sqrt(T)
    b2 = jnp.zeros((T,), dtype=jnp.float32)
    W3 = jax.random.normal(ks[4], (Cin + T, Cout), dtype=jnp.float32) / np.sqrt(Cin + T)
    b3 = jnp.zeros((Cout,), dtype=jnp.float32)
    return {"xyz": xyz, "feature": feature, "W1": W1, "b1": b1, "W2": W2, "b2": b2, "W3": W3, "b3": b3}

def reference(xyz, feature, W1, b1, W2, b2, W3, b3):
    A = ANCHOR_POINTS
    B, N, _ = xyz.shape
    S = NSAMPLE
    # RotationInvariantDistFea on the full cloud (xyz_dists retained)
    D = pairwise_dists(xyz)
    intra_before, anchors_before = gen_intra(D, A)
    # deterministic uniform downsample (stand-in for multinomial w/o replacement)
    sample_idx = jnp.broadcast_to(jnp.arange(S, dtype=jnp.int32) * (N // S), (B, S))
    sampled_xyz = index_points(xyz, sample_idx)
    # intra-anchor dists after sampling
    Ds = pairwise_dists(sampled_xyz)
    intra_after, anchors_after_local = gen_intra(Ds, A)
    anchors_after = jnp.take_along_axis(sample_idx, anchors_after_local.reshape(B, -1), axis=1).reshape(B, S, A)
    # gather pre-sampling anchor features at sampled points
    intra_before_s = index_points(intra_before, sample_idx)
    anchors_before_s = index_points(anchors_before, sample_idx)
    # inter-anchor dists between anchors before and after sampling (retained xyz_dists)
    ia = jnp.broadcast_to(anchors_before_s[:, :, :, None], (B, S, A, A))
    ib = jnp.broadcast_to(anchors_after[:, :, None, :], (B, S, A, A))
    inter = index_dists(D, ia, ib).reshape(B, S, A * A)
    # anchor transition feature MLP (28 -> T -> T), then output MLP
    fea = jnp.concatenate([intra_before_s, intra_after, inter], axis=-1)
    h = leaky(fea @ W1 + b1)
    h = leaky(h @ W2 + b2)
    f = index_points(feature, sample_idx)
    out = leaky(jnp.concatenate([f, h], axis=-1) @ W3 + b3)
    return out

if __name__ == "__main__":
    import jax
    _d = setup_inputs()
    print(jax.jit(kernel)(*tuple(_d.values())))

</pallas_src>

<mosaic_0001>
#map = affine_map<(d0, d1) -> (0, 0)>
#map1 = affine_map<(d0, d1) -> (0)>
module attributes {stable_mosaic.version = 14 : i64} {
  func.func @gather_k(%arg0: i32, %arg1: i32, %arg2: memref<8192x128xf32, #tpu.memory_space<hbm>>, %arg3: memref<16384xi32, #tpu.memory_space<hbm>>, %arg4: memref<16384x128xf32, #tpu.memory_space<hbm>>, %arg5: memref<512xi32, #tpu.memory_space<vmem>>, %arg6: memref<512x128xf32, #tpu.memory_space<vmem>>, %arg7: memref<!tpu.dma_semaphore, #tpu.memory_space<semaphore_mem>>) attributes {dimension_semantics = [#tpu.dimension_semantics<core_parallel>, #tpu.dimension_semantics<subcore_parallel>], iteration_bounds = array<i64: 2, 16>, scalar_prefetch = 0 : i64, scratch_operands = 3 : i64, tpu.core_type = #tpu.core_type<sc_vector_subcore>, window_params = [{transform_indices = #map}, {transform_indices = #map1}, {transform_indices = #map}]} {
    %mul3A = arith.constant 2 : i32
    %mul3A_0 = arith.muli %arg1, %mul3A : i32
    %add3A = arith.addi %mul3A_0, %arg0 : i32
    %mul3A_1 = arith.constant 512 : i32
    %mul3A_2 = arith.muli %add3A, %mul3A_1 : i32
    "tpu.region"() ({
      %run_scoped3A = tpu.sem_alloc : memref<!tpu.dma_semaphore, #tpu.memory_space<semaphore_mem>>
      %dma_start3A_7 = tpu.memref_slice %arg3[%mul3A_2] : memref<16384xi32, #tpu.memory_space<hbm>> -> memref<512xi32, #tpu.memory_space<hbm>>
      %dma_start3A_8 = tpu.memref_slice %arg3[%mul3A_2] : memref<16384xi32, #tpu.memory_space<hbm>> -> memref<512xi32, #tpu.memory_space<hbm>>
      tpu.enqueue_dma source(%dma_start3A_8 : memref<512xi32, #tpu.memory_space<hbm>>) target(%arg5 : memref<512xi32, #tpu.memory_space<vmem>>) target_semaphore(%run_scoped3A : memref<!tpu.dma_semaphore, #tpu.memory_space<semaphore_mem>>)
      %dma_wait3A_9 = tpu.memref_slice %arg3[%mul3A_2] : memref<16384xi32, #tpu.memory_space<hbm>> -> memref<512xi32, #tpu.memory_space<hbm>>
      %dma_wait3A_10 = tpu.memref_slice %arg3[%mul3A_2] : memref<16384xi32, #tpu.memory_space<hbm>> -> memref<512xi32, #tpu.memory_space<hbm>>
      tpu.wait_dma2 semaphore(%run_scoped3A : memref<!tpu.dma_semaphore, #tpu.memory_space<semaphore_mem>>) src(%dma_wait3A_10 : memref<512xi32, #tpu.memory_space<hbm>>) dst(%arg5 : memref<512xi32, #tpu.memory_space<vmem>>)
      tpu.yield
    }) : () -> ()
    %dma_start3A = arith.constant 0 : i32
    %dma_start3A_3 = arith.constant 0 : i32
    %dma_start3A_4 = tpu.memref_slice %arg2[%dma_start3A, %dma_start3A_3] : memref<8192x128xf32, #tpu.memory_space<hbm>> -> memref<8192x128xf32, #tpu.memory_space<hbm>>
    tpu.enqueue_indirect_dma source(%dma_start3A_4 : memref<8192x128xf32, #tpu.memory_space<hbm>>) target(%arg6 : memref<512x128xf32, #tpu.memory_space<vmem>>) offsets(%arg5 : memref<512xi32, #tpu.memory_space<vmem>>) semaphore(%arg7 : memref<!tpu.dma_semaphore, #tpu.memory_space<semaphore_mem>>)
    %dma_wait3A = arith.constant 0 : i32
    %dma_wait3A_5 = arith.constant 0 : i32
    %dma_wait3A_6 = tpu.memref_slice %arg2[%dma_wait3A, %dma_wait3A_5] : memref<8192x128xf32, #tpu.memory_space<hbm>> -> memref<8192x128xf32, #tpu.memory_space<hbm>>
    tpu.wait_indirect_dma semaphore(%arg7 : memref<!tpu.dma_semaphore, #tpu.memory_space<semaphore_mem>>) src(%dma_wait3A_6 : memref<8192x128xf32, #tpu.memory_space<hbm>>) dst(%arg6 : memref<512x128xf32, #tpu.memory_space<vmem>>)
    "tpu.region"() ({
      %run_scoped3A = tpu.sem_alloc : memref<!tpu.dma_semaphore, #tpu.memory_space<semaphore_mem>>
      %dma_start3A_7 = arith.constant 0 : i32
      %dma_start3A_8 = tpu.memref_slice %arg4[%mul3A_2, %dma_start3A_7] : memref<16384x128xf32, #tpu.memory_space<hbm>> -> memref<512x128xf32, #tpu.memory_space<hbm>>
      %dma_start3A_9 = arith.constant 0 : i32
      %dma_start3A_10 = tpu.memref_slice %arg4[%mul3A_2, %dma_start3A_9] : memref<16384x128xf32, #tpu.memory_space<hbm>> -> memref<512x128xf32, #tpu.memory_space<hbm>>
      tpu.enqueue_dma source(%arg6 : memref<512x128xf32, #tpu.memory_space<vmem>>) target(%dma_start3A_10 : memref<512x128xf32, #tpu.memory_space<hbm>>) target_semaphore(%run_scoped3A : memref<!tpu.dma_semaphore, #tpu.memory_space<semaphore_mem>>)
      %dma_wait3A_11 = arith.constant 0 : i32
      %dma_wait3A_12 = tpu.memref_slice %arg4[%mul3A_2, %dma_wait3A_11] : memref<16384x128xf32, #tpu.memory_space<hbm>> -> memref<512x128xf32, #tpu.memory_space<hbm>>
      %dma_wait3A_13 = arith.constant 0 : i32
      %dma_wait3A_14 = tpu.memref_slice %arg4[%mul3A_2, %dma_wait3A_13] : memref<16384x128xf32, #tpu.memory_space<hbm>> -> memref<512x128xf32, #tpu.memory_space<hbm>>
      tpu.wait_dma2 semaphore(%run_scoped3A : memref<!tpu.dma_semaphore, #tpu.memory_space<semaphore_mem>>) src(%arg6 : memref<512x128xf32, #tpu.memory_space<vmem>>) dst(%dma_wait3A_14 : memref<512x128xf32, #tpu.memory_space<hbm>>)
      tpu.yield
    }) : () -> ()
    return
  }
}

module attributes {stable_mosaic.version = 14 : i64} {
  func.func @_knn_body(%arg0: i32, %arg1: i32, %arg2: memref<1x256x3xf32, #tpu.memory_space<vmem>>, %arg3: memref<1x3x4096xf32, #tpu.memory_space<vmem>>, %arg4: memref<1x3x1024xf32, #tpu.memory_space<vmem>>, %arg5: memref<1x256x8xf32, #tpu.memory_space<vmem>>, %arg6: memref<8x256xi32, #tpu.memory_space<vmem>>) attributes {dimension_semantics = [#tpu.dimension_semantics<arbitrary>, #tpu.dimension_semantics<arbitrary>], iteration_bounds = array<i64: 2, 4>, scalar_prefetch = 0 : i64, scratch_operands = 0 : i64, tpu.core_type = #tpu.core_type<tc>, window_params = [{transform_indices = @transform_0, window_bounds = array<i64: 1, 256, 3>}, {transform_indices = @transform_1, window_bounds = array<i64: 1, 3, 4096>}, {transform_indices = @transform_2, window_bounds = array<i64: 1, 3, 1024>}, {transform_indices = @transform_3, window_bounds = array<i64: 1, 256, 8>}, {transform_indices = @transform_4, window_bounds = array<i64: 8, 256>}]} {
    %get3A = arith.constant 0 : index
    %get3A_0 = arith.constant 0 : index
    %get3A_1 = arith.constant 0 : index
    %get3A_2 = vector.load %arg2[%get3A, %get3A_0, %get3A_1] : memref<1x256x3xf32, #tpu.memory_space<vmem>>, vector<1x256x3xf32>
    %get3A_3 = vector.shape_cast %get3A_2 : vector<1x256x3xf32> to vector<256x3xf32>
    %get3A_4 = arith.constant 0 : index
    %get3A_5 = arith.constant 0 : index
    %get3A_6 = arith.constant 0 : index
    %get3A_7 = vector.load %arg3[%get3A_4, %get3A_5, %get3A_6] : memref<1x3x4096xf32, #tpu.memory_space<vmem>>, vector<1x3x4096xf32>
    %get3A_8 = vector.shape_cast %get3A_7 : vector<1x3x4096xf32> to vector<3x4096xf32>
    %get3A_9 = arith.constant 0 : index
    %get3A_10 = arith.constant 0 : index
    %get3A_11 = arith.constant 0 : index
    %get3A_12 = vector.load %arg4[%get3A_9, %get3A_10, %get3A_11] : memref<1x3x1024xf32, #tpu.memory_space<vmem>>, vector<1x3x1024xf32>
    %get3A_13 = vector.shape_cast %get3A_12 : vector<1x3x1024xf32> to vector<3x1024xf32>
    %mul3A = arith.mulf %get3A_3, %get3A_3 : vector<256x3xf32>
    %reduce_sum3A = arith.constant dense<0.000000e+00> : vector<256xf32>
    %reduce_sum3A_14 = vector.multi_reduction <add>, %mul3A, %reduce_sum3A [1] : vector<256x3xf32> to vector<256xf32>
    %broadcast_in_dim3A = vector.shape_cast %reduce_sum3A_14 : vector<256xf32> to vector<256x1xf32>
    %mul3A_15 = arith.mulf %get3A_8, %get3A_8 : vector<3x4096xf32>
    %reduce_sum3A_16 = arith.constant dense<0.000000e+00> : vector<4096xf32>
    %reduce_sum3A_17 = vector.multi_reduction <add>, %mul3A_15, %reduce_sum3A_16 [0] : vector<3x4096xf32> to vector<4096xf32>
    %broadcast_in_dim3A_18 = vector.shape_cast %reduce_sum3A_17 : vector<4096xf32> to vector<1x4096xf32>
    %mul3A_19 = arith.mulf %get3A_13, %get3A_13 : vector<3x1024xf32>
    %reduce_sum3A_20 = arith.constant dense<0.000000e+00> : vector<1024xf32>
    %reduce_sum3A_21 = vector.multi_reduction <add>, %mul3A_19, %reduce_sum3A_20 [0] : vector<3x1024xf32> to vector<1024xf32>
    %broadcast_in_dim3A_22 = vector.shape_cast %reduce_sum3A_21 : vector<1024xf32> to vector<1x1024xf32>
    %dot_general3A = arith.constant dense<0.000000e+00> : vector<256x4096xf32>
    %dot_general3A_23 = tpu.matmul %get3A_3, %get3A_8, %dot_general3A {dimension_numbers = #tpu.dot_dimension_numbers<[1], [0], [0], [1], [0, 0, 1, 1], [], []>, transpose_lhs_hint = false} : vector<256x3xf32>, vector<3x4096xf32>, vector<256x4096xf32> -> vector<256x4096xf32>
    %dot_general3A_24 = arith.constant dense<0.000000e+00> : vector<256x1024xf32>
    %dot_general3A_25 = tpu.matmul %get3A_3, %get3A_13, %dot_general3A_24 {dimension_numbers = #tpu.dot_dimension_numbers<[1], [0], [0], [1], [0, 0, 1, 1], [], []>, transpose_lhs_hint = false} : vector<256x3xf32>, vector<3x1024xf32>, vector<256x1024xf32> -> vector<256x1024xf32>
    %add3A = vector.broadcast %broadcast_in_dim3A : vector<256x1xf32> to vector<256x4096xf32>
    %add3A_26 = vector.broadcast %broadcast_in_dim3A_18 : vector<1x4096xf32> to vector<256x4096xf32>
    %add3A_27 = arith.addf %add3A, %add3A_26 : vector<256x4096xf32>
    %mul3A_28 = arith.constant 2.000000e+00 : f32
    %mul3A_29 = vector.broadcast %mul3A_28 : f32 to vector<256x4096xf32>
    %mul3A_30 = arith.mulf %mul3A_29, %dot_general3A_23 : vector<256x4096xf32>
    %sub3A = arith.subf %add3A_27, %mul3A_30 : vector<256x4096xf32>
    %max3A = arith.constant 0.000000e+00 : f32
    %max3A_31 = vector.broadcast %max3A : f32 to vector<256x4096xf32>
    %max3A_32 = arith.maximumf %sub3A, %max3A_31 : vector<256x4096xf32>
    %add3A_33 = arith.constant 9.99999993E-9 : f32
    %add3A_34 = vector.broadcast %add3A_33 : f32 to vector<256x4096xf32>
    %add3A_35 = arith.addf %max3A_32, %add3A_34 : vector<256x4096xf32>
    %sqrt3A = math.sqrt %add3A_35 : vector<256x4096xf32>
    %add3A_36 = vector.broadcast %broadcast_in_dim3A : vector<256x1xf32> to vector<256x1024xf32>
    %add3A_37 = vector.broadcast %broadcast_in_dim3A_22 : vector<1x1024xf32> to vector<256x1024xf32>
    %add3A_38 = arith.addf %add3A_36, %add3A_37 : vector<256x1024xf32>
    %mul3A_39 = arith.constant 2.000000e+00 : f32
    %mul3A_40 = vector.broadcast %mul3A_39 : f32 to vector<256x1024xf32>
    %mul3A_41 = arith.mulf %mul3A_40, %dot_general3A_25 : vector<256x1024xf32>
    %sub3A_42 = arith.subf %add3A_38, %mul3A_41 : vector<256x1024xf32>
    %max3A_43 = arith.constant 0.000000e+00 : f32
    %max3A_44 = vector.broadcast %max3A_43 : f32 to vector<256x1024xf32>
    %max3A_45 = arith.maximumf %sub3A_42, %max3A_44 : vector<256x1024xf32>
    %add3A_46 = arith.constant 9.99999993E-9 : f32
    %add3A_47 = vector.broadcast %add3A_46 : f32 to vector<256x1024xf32>
    %add3A_48 = arith.addf %max3A_45, %add3A_47 : vector<256x1024xf32>
    %sqrt3A_49 = math.sqrt %add3A_48 : vector<256x1024xf32>
    %iota3A = tpu.iota {dimensions = array<i32: 1>} : vector<256x4096xi32>
    %reduce_min3A = arith.constant dense<0x7F800000> : vector<256xf32>
    %reduce_min3A_50 = vector.multi_reduction <minimumf>, %sqrt3A, %reduce_min3A [1] : vector<256x4096xf32> to vector<256xf32>
    %broadcast_in_dim3A_51 = vector.shape_cast %reduce_min3A_50 : vector<256xf32> to vector<256x1xf32>
    %eq3A = vector.broadcast %broadcast_in_dim3A_51 : vector<256x1xf32> to vector<256x4096xf32>
    %eq3A_52 = arith.cmpf oeq, %sqrt3A, %eq3A : vector<256x4096xf32>
    %jit3A = arith.constant 4096 : i32
    %broadcast_in_dim3A_53 = vector.broadcast %jit3A : i32 to vector<256x4096xi32>
    %select_n3A = arith.select %eq3A_52, %iota3A, %broadcast_in_dim3A_53 : vector<256x4096xi1>, vector<256x4096xi32>
    %reduce_min3A_54 = arith.constant dense<2147483647> : vector<256xi32>
    %reduce_min3A_55 = vector.multi_reduction <minsi>, %select_n3A, %reduce_min3A_54 [1] : vector<256x4096xi32> to vector<256xi32>
    %broadcast_in_dim3A_56 = vector.shape_cast %reduce_min3A_55 : vector<256xi32> to vector<256x1xi32>
    %eq3A_57 = vector.broadcast %broadcast_in_dim3A_56 : vector<256x1xi32> to vector<256x4096xi32>
    %eq3A_58 = arith.cmpi eq, %iota3A, %eq3A_57 : vector<256x4096xi32>
    %jit3A_59 = arith.constant 0x7F800000 : f32
    %broadcast_in_dim3A_60 = vector.broadcast %jit3A_59 : f32 to vector<256x4096xf32>
    %select_n3A_61 = arith.select %eq3A_58, %broadcast_in_dim3A_60, %sqrt3A : vector<256x4096xi1>, vector<256x4096xf32>
    %reduce_min3A_62 = arith.constant dense<0x7F800000> : vector<256xf32>
    %reduce_min3A_63 = vector.multi_reduction <minimumf>, %select_n3A_61, %reduce_min3A_62 [1] : vector<256x4096xf32> to vector<256xf32>
    %broadcast_in_dim3A_64 = vector.shape_cast %reduce_min3A_63 : vector<256xf32> to vector<256x1xf32>
    %eq3A_65 = vector.broadcast %broadcast_in_dim3A_64 : vector<256x1xf32> to vector<256x4096xf32>
    %eq3A_66 = arith.cmpf oeq, %select_n3A_61, %eq3A_65 : vector<256x4096xf32>
    %jit3A_67 = arith.constant 4096 : i32
    %broadcast_in_dim3A_68 = vector.broadcast %jit3A_67 : i32 to vector<256x4096xi32>
    %select_n3A_69 = arith.select %eq3A_66, %iota3A, %broadcast_in_dim3A_68 : vector<256x4096xi1>, vector<256x4096xi32>
    %reduce_min3A_70 = arith.constant dense<2147483647> : vector<256xi32>
    %reduce_min3A_71 = vector.multi_reduction <minsi>, %select_n3A_69, %reduce_min3A_70 [1] : vector<256x4096xi32> to vector<256xi32>
    %broadcast_in_dim3A_72 = vector.shape_cast %reduce_min3A_71 : vector<256xi32> to vector<256x1xi32>
    %eq3A_73 = vector.broadcast %broadcast_in_dim3A_72 : vector<256x1xi32> to vector<256x4096xi32>
    %eq3A_74 = arith.cmpi eq, %iota3A, %eq3A_73 : vector<256x4096xi32>
    %jit3A_75 = arith.constant 0x7F800000 : f32
    %broadcast_in_dim3A_76 = vector.broadcast %jit3A_75 : f32 to vector<256x4096xf32>
    %select_n3A_77 = arith.select %eq3A_74, %broadcast_in_dim3A_76, %select_n3A_61 : vector<256x4096xi1>, vector<256x4096xf32>
    %reduce_min3A_78 = arith.constant dense<0x7F800000> : vector<256xf32>
    %reduce_min3A_79 = vector.multi_reduction <minimumf>, %select_n3A_77, %reduce_min3A_78 [1] : vector<256x4096xf32> to vector<256xf32>
    %broadcast_in_dim3A_80 = vector.shape_cast %reduce_min3A_79 : vector<256xf32> to vector<256x1xf32>
    %eq3A_81 = vector.broadcast %broadcast_in_dim3A_80 : vector<256x1xf32> to vector<256x4096xf32>
    %eq3A_82 = arith.cmpf oeq, %select_n3A_77, %eq3A_81 : vector<256x4096xf32>
    %jit3A_83 = arith.constant 4096 : i32
    %broadcast_in_dim3A_84 = vector.broadcast %jit3A_83 : i32 to vector<256x4096xi32>
    %select_n3A_85 = arith.select %eq3A_82, %iota3A, %broadcast_in_dim3A_84 : vector<256x4096xi1>, vector<256x4096xi32>
    %reduce_min3A_86 = arith.constant dense<2147483647> : vector<256xi32>
    %reduce_min3A_87 = vector.multi_reduction <minsi>, %select_n3A_85, %reduce_min3A_86 [1] : vector<256x4096xi32> to vector<256xi32>
    %broadcast_in_dim3A_88 = vector.shape_cast %reduce_min3A_87 : vector<256xi32> to vector<256x1xi32>
    %eq3A_89 = vector.broadcast %broadcast_in_dim3A_88 : vector<256x1xi32> to vector<256x4096xi32>
    %eq3A_90 = arith.cmpi eq, %iota3A, %eq3A_89 : vector<256x4096xi32>
    %jit3A_91 = arith.constant 0x7F800000 : f32
    %broadcast_in_dim3A_92 = vector.broadcast %jit3A_91 : f32 to vector<256x4096xf32>
    %select_n3A_93 = arith.select %eq3A_90, %broadcast_in_dim3A_92, %select_n3A_77 : vector<256x4096xi1>, vector<256x4096xf32>
    %reduce_min3A_94 = arith.constant dense<0x7F800000> : vector<256xf32>
    %reduce_min3A_95 = vector.multi_reduction <minimumf>, %select_n3A_93, %reduce_min3A_94 [1] : vector<256x4096xf32> to vector<256xf32>
    %broadcast_in_dim3A_96 = vector.shape_cast %reduce_min3A_95 : vector<256xf32> to vector<256x1xf32>
    %eq3A_97 = vector.broadcast %broadcast_in_dim3A_96 : vector<256x1xf32> to vector<256x4096xf32>
    %eq3A_98 = arith.cmpf oeq, %select_n3A_93, %eq3A_97 : vector<256x4096xf32>
    %jit3A_99 = arith.constant 4096 : i32
    %broadcast_in_dim3A_100 = vector.broadcast %jit3A_99 : i32 to vector<256x4096xi32>
    %select_n3A_101 = arith.select %eq3A_98, %iota3A, %broadcast_in_dim3A_100 : vector<256x4096xi1>, vector<256x4096xi32>
    %reduce_min3A_102 = arith.constant dense<2147483647> : vector<256xi32>
    %reduce_min3A_103 = vector.multi_reduction <minsi>, %select_n3A_101, %reduce_min3A_102 [1] : vector<256x4096xi32> to vector<256xi32>
    %broadcast_in_dim3A_104 = vector.shape_cast %reduce_min3A_103 : vector<256xi32> to vector<256x1xi32>
    %concatenate3A = tpu.concatenate %broadcast_in_dim3A_51, %broadcast_in_dim3A_64, %broadcast_in_dim3A_80, %broadcast_in_dim3A_96 in 1 : vector<256x1xf32>, vector<256x1xf32>, vector<256x1xf32>, vector<256x1xf32> -> vector<256x4xf32>
    %concatenate3A_105 = tpu.concatenate %broadcast_in_dim3A_56, %broadcast_in_dim3A_72, %broadcast_in_dim3A_88, %broadcast_in_dim3A_104 in 1 : vector<256x1xi32>, vector<256x1xi32>, vector<256x1xi32>, vector<256x1xi32> -> vector<256x4xi32>
    %iota3A_106 = tpu.iota {dimensions = array<i32: 1>} : vector<256x1024xi32>
    %reduce_min3A_107 = arith.constant dense<0x7F800000> : vector<256xf32>
    %reduce_min3A_108 = vector.multi_reduction <minimumf>, %sqrt3A_49, %reduce_min3A_107 [1] : vector<256x1024xf32> to vector<256xf32>
    %broadcast_in_dim3A_109 = vector.shape_cast %reduce_min3A_108 : vector<256xf32> to vector<256x1xf32>
    %eq3A_110 = vector.broadcast %broadcast_in_dim3A_109 : vector<256x1xf32> to vector<256x1024xf32>
    %eq3A_111 = arith.cmpf oeq, %sqrt3A_49, %eq3A_110 : vector<256x1024xf32>
    %jit3A_112 = arith.constant 1024 : i32
    %broadcast_in_dim3A_113 = vector.broadcast %jit3A_112 : i32 to vector<256x1024xi32>
    %select_n3A_114 = arith.select %eq3A_111, %iota3A_106, %broadcast_in_dim3A_113 : vector<256x1024xi1>, vector<256x1024xi32>
    %reduce_min3A_115 = arith.constant dense<2147483647> : vector<256xi32>
    %reduce_min3A_116 = vector.multi_reduction <minsi>, %select_n3A_114, %reduce_min3A_115 [1] : vector<256x1024xi32> to vector<256xi32>
    %broadcast_in_dim3A_117 = vector.shape_cast %reduce_min3A_116 : vector<256xi32> to vector<256x1xi32>
    %eq3A_118 = vector.broadcast %broadcast_in_dim3A_117 : vector<256x1xi32> to vector<256x1024xi32>
    %eq3A_119 = arith.cmpi eq, %iota3A_106, %eq3A_118 : vector<256x1024xi32>
    %jit3A_120 = arith.constant 0x7F800000 : f32
    %broadcast_in_dim3A_121 = vector.broadcast %jit3A_120 : f32 to vector<256x1024xf32>
    %select_n3A_122 = arith.select %eq3A_119, %broadcast_in_dim3A_121, %sqrt3A_49 : vector<256x1024xi1>, vector<256x1024xf32>
    %reduce_min3A_123 = arith.constant dense<0x7F800000> : vector<256xf32>
    %reduce_min3A_124 = vector.multi_reduction <minimumf>, %select_n3A_122, %reduce_min3A_123 [1] : vector<256x1024xf32> to vector<256xf32>
    %broadcast_in_dim3A_125 = vector.shape_cast %reduce_min3A_124 : vector<256xf32> to vector<256x1xf32>
    %eq3A_126 = vector.broadcast %broadcast_in_dim3A_125 : vector<256x1xf32> to vector<256x1024xf32>
    %eq3A_127 = arith.cmpf oeq, %select_n3A_122, %eq3A_126 : vector<256x1024xf32>
    %jit3A_128 = arith.constant 1024 : i32
    %broadcast_in_dim3A_129 = vector.broadcast %jit3A_128 : i32 to vector<256x1024xi32>
    %select_n3A_130 = arith.select %eq3A_127, %iota3A_106, %broadcast_in_dim3A_129 : vector<256x1024xi1>, vector<256x1024xi32>
    %reduce_min3A_131 = arith.constant dense<2147483647> : vector<256xi32>
    %reduce_min3A_132 = vector.multi_reduction <minsi>, %select_n3A_130, %reduce_min3A_131 [1] : vector<256x1024xi32> to vector<256xi32>
    %broadcast_in_dim3A_133 = vector.shape_cast %reduce_min3A_132 : vector<256xi32> to vector<256x1xi32>
    %eq3A_134 = vector.broadcast %broadcast_in_dim3A_133 : vector<256x1xi32> to vector<256x1024xi32>
    %eq3A_135 = arith.cmpi eq, %iota3A_106, %eq3A_134 : vector<256x1024xi32>
    %jit3A_136 = arith.constant 0x7F800000 : f32
    %broadcast_in_dim3A_137 = vector.broadcast %jit3A_136 : f32 to vector<256x1024xf32>
    %select_n3A_138 = arith.select %eq3A_135, %broadcast_in_dim3A_137, %select_n3A_122 : vector<256x1024xi1>, vector<256x1024xf32>
    %reduce_min3A_139 = arith.constant dense<0x7F800000> : vector<256xf32>
    %reduce_min3A_140 = vector.multi_reduction <minimumf>, %select_n3A_138, %reduce_min3A_139 [1] : vector<256x1024xf32> to vector<256xf32>
    %broadcast_in_dim3A_141 = vector.shape_cast %reduce_min3A_140 : vector<256xf32> to vector<256x1xf32>
    %eq3A_142 = vector.broadcast %broadcast_in_dim3A_141 : vector<256x1xf32> to vector<256x1024xf32>
    %eq3A_143 = arith.cmpf oeq, %select_n3A_138, %eq3A_142 : vector<256x1024xf32>
    %jit3A_144 = arith.constant 1024 : i32
    %broadcast_in_dim3A_145 = vector.broadcast %jit3A_144 : i32 to vector<256x1024xi32>
    %select_n3A_146 = arith.select %eq3A_143, %iota3A_106, %broadcast_in_dim3A_145 : vector<256x1024xi1>, vector<256x1024xi32>
    %reduce_min3A_147 = arith.constant dense<2147483647> : vector<256xi32>
    %reduce_min3A_148 = vector.multi_reduction <minsi>, %select_n3A_146, %reduce_min3A_147 [1] : vector<256x1024xi32> to vector<256xi32>
    %broadcast_in_dim3A_149 = vector.shape_cast %reduce_min3A_148 : vector<256xi32> to vector<256x1xi32>
    %eq3A_150 = vector.broadcast %broadcast_in_dim3A_149 : vector<256x1xi32> to vector<256x1024xi32>
    %eq3A_151 = arith.cmpi eq, %iota3A_106, %eq3A_150 : vector<256x1024xi32>
    %jit3A_152 = arith.constant 0x7F800000 : f32
    %broadcast_in_dim3A_153 = vector.broadcast %jit3A_152 : f32 to vector<256x1024xf32>
    %select_n3A_154 = arith.select %eq3A_151, %broadcast_in_dim3A_153, %select_n3A_138 : vector<256x1024xi1>, vector<256x1024xf32>
    %reduce_min3A_155 = arith.constant dense<0x7F800000> : vector<256xf32>
    %reduce_min3A_156 = vector.multi_reduction <minimumf>, %select_n3A_154, %reduce_min3A_155 [1] : vector<256x1024xf32> to vector<256xf32>
    %broadcast_in_dim3A_157 = vector.shape_cast %reduce_min3A_156 : vector<256xf32> to vector<256x1xf32>
    %eq3A_158 = vector.broadcast %broadcast_in_dim3A_157 : vector<256x1xf32> to vector<256x1024xf32>
    %eq3A_159 = arith.cmpf oeq, %select_n3A_154, %eq3A_158 : vector<256x1024xf32>
    %jit3A_160 = arith.constant 1024 : i32
    %broadcast_in_dim3A_161 = vector.broadcast %jit3A_160 : i32 to vector<256x1024xi32>
    %select_n3A_162 = arith.select %eq3A_159, %iota3A_106, %broadcast_in_dim3A_161 : vector<256x1024xi1>, vector<256x1024xi32>
    %reduce_min3A_163 = arith.constant dense<2147483647> : vector<256xi32>
    %reduce_min3A_164 = vector.multi_reduction <minsi>, %select_n3A_162, %reduce_min3A_163 [1] : vector<256x1024xi32> to vector<256xi32>
    %broadcast_in_dim3A_165 = vector.shape_cast %reduce_min3A_164 : vector<256xi32> to vector<256x1xi32>
    %concatenate3A_166 = tpu.concatenate %broadcast_in_dim3A_109, %broadcast_in_dim3A_125, %broadcast_in_dim3A_141, %broadcast_in_dim3A_157 in 1 : vector<256x1xf32>, vector<256x1xf32>, vector<256x1xf32>, vector<256x1xf32> -> vector<256x4xf32>
    %concatenate3A_167 = tpu.concatenate %broadcast_in_dim3A_117, %broadcast_in_dim3A_133, %broadcast_in_dim3A_149, %broadcast_in_dim3A_165 in 1 : vector<256x1xi32>, vector<256x1xi32>, vector<256x1xi32>, vector<256x1xi32> -> vector<256x4xi32>
    %mul3A_168 = arith.constant 4096 : i32
    %mul3A_169 = arith.muli %arg0, %mul3A_168 : i32
    %concatenate3A_170 = tpu.concatenate %concatenate3A, %concatenate3A_166 in 1 : vector<256x4xf32>, vector<256x4xf32> -> vector<256x8xf32>
    %swap3A = arith.constant 0 : index
    %swap3A_171 = arith.constant 0 : index
    %swap3A_172 = arith.constant 0 : index
    %swap3A_173 = vector.load %arg5[%swap3A, %swap3A_171, %swap3A_172] : memref<1x256x8xf32, #tpu.memory_space<vmem>>, vector<1x256x8xf32>
    %swap3A_174 = vector.shape_cast %swap3A_173 : vector<1x256x8xf32> to vector<256x8xf32>
    %swap3A_175 = vector.shape_cast %concatenate3A_170 : vector<256x8xf32> to vector<1x256x8xf32>
    tpu.vector_store %arg5[%swap3A, %swap3A_171, %swap3A_172], %swap3A_175 {strides = array<i32>} : memref<1x256x8xf32, #tpu.memory_space<vmem>>, vector<1x256x8xf32>,
    %add3A_176 = vector.broadcast %mul3A_169 : i32 to vector<256x4xi32>
    %add3A_177 = arith.addi %concatenate3A_105, %add3A_176 : vector<256x4xi32>
    %mul3A_178 = arith.constant 4 : i32
    %mul3A_179 = vector.broadcast %mul3A_178 : i32 to vector<256x4xi32>
    %mul3A_180 = arith.muli %concatenate3A_167, %mul3A_179 : vector<256x4xi32>
    %add3A_181 = vector.broadcast %mul3A_169 : i32 to vector<256x4xi32>
    %add3A_182 = arith.addi %mul3A_180, %add3A_181 : vector<256x4xi32>
    %concatenate3A_183 = tpu.concatenate %add3A_177, %add3A_182 in 1 : vector<256x4xi32>, vector<256x4xi32> -> vector<256x8xi32>
    %transpose3A = tpu.transpose %concatenate3A_183, [1, 0] : vector<256x8xi32> -> vector<8x256xi32>
    %swap3A_184 = arith.constant 0 : index
    %swap3A_185 = arith.constant 0 : index
    %swap3A_186 = vector.load %arg6[%swap3A_184, %swap3A_185] : memref<8x256xi32, #tpu.memory_space<vmem>>, vector<8x256xi32>
    tpu.vector_store %arg6[%swap3A_184, %swap3A_185], %transpose3A {strides = array<i32>} : memref<8x256xi32, #tpu.memory_space<vmem>>, vector<8x256xi32>,
    return
  }
  func.func @transform_0(%arg0: i32, %arg1: i32) -> (i32, i32, i32) {
    %c0_i32 = arith.constant 0 : i32
    %c0_i32_0 = arith.constant 0 : i32
    return %arg0, %arg1, %c0_i32 : i32, i32, i32
  }
  func.func @transform_1(%arg0: i32, %arg1: i32) -> (i32, i32, i32) {
    %c0_i32 = arith.constant 0 : i32
    %c0_i32_0 = arith.constant 0 : i32
    %c0_i32_1 = arith.constant 0 : i32
    return %arg0, %c0_i32, %c0_i32_0 : i32, i32, i32
  }
  func.func @transform_2(%arg0: i32, %arg1: i32) -> (i32, i32, i32) {
    %c0_i32 = arith.constant 0 : i32
    %c0_i32_0 = arith.constant 0 : i32
    %c0_i32_1 = arith.constant 0 : i32
    return %arg0, %c0_i32, %c0_i32_0 : i32, i32, i32
  }
  func.func @transform_3(%arg0: i32, %arg1: i32) -> (i32, i32, i32) {
    %c0_i32 = arith.constant 0 : i32
    %c0_i32_0 = arith.constant 0 : i32
    return %arg0, %arg1, %c0_i32 : i32, i32, i32
  }
  func.func @transform_4(%arg0: i32, %arg1: i32) -> (i32, i32) {
    %mul3A = arith.constant 4 : i32
    %mul3A_0 = arith.muli %arg0, %mul3A : i32
    %add3A = arith.addi %mul3A_0, %arg1 : i32
    %c0_i32 = arith.constant 0 : i32
    %c0_i32_1 = arith.constant 0 : i32
    return %c0_i32, %add3A : i32, i32
  }
}

module attributes {stable_mosaic.version = 14 : i64} {
  func.func @_mlp_body(%arg0: i32, %arg1: memref<8x512x128xf32, #tpu.memory_space<vmem>>, %arg2: memref<512x8xf32, #tpu.memory_space<vmem>>, %arg3: memref<512x256xf32, #tpu.memory_space<vmem>>, %arg4: memref<28x128xf32, #tpu.memory_space<vmem>>, %arg5: memref<1x128xf32, #tpu.memory_space<vmem>>, %arg6: memref<128x128xf32, #tpu.memory_space<vmem>>, %arg7: memref<1x128xf32, #tpu.memory_space<vmem>>, %arg8: memref<256x512xf32, #tpu.memory_space<vmem>>, %arg9: memref<128x512xf32, #tpu.memory_space<vmem>>, %arg10: memref<1x512xf32, #tpu.memory_space<vmem>>, %arg11: memref<512x512xf32, #tpu.memory_space<vmem>>) attributes {dimension_semantics = [#tpu.dimension_semantics<arbitrary>], iteration_bounds = array<i64: 4>, scalar_prefetch = 0 : i64, scratch_operands = 0 : i64, tpu.core_type = #tpu.core_type<tc>, window_params = [{transform_indices = @transform_0, window_bounds = array<i64: 8, 512, 128>}, {transform_indices = @transform_1, window_bounds = array<i64: 512, 8>}, {transform_indices = @transform_2, window_bounds = array<i64: 512, 256>}, {pipeline_mode = #tpu.pipeline_mode<synchronous>, transform_indices = @transform_3, window_bounds = array<i64: 28, 128>}, {pipeline_mode = #tpu.pipeline_mode<synchronous>, transform_indices = @transform_4, window_bounds = array<i64: 1, 128>}, {pipeline_mode = #tpu.pipeline_mode<synchronous>, transform_indices = @transform_5, window_bounds = array<i64: 128, 128>}, {pipeline_mode = #tpu.pipeline_mode<synchronous>, transform_indices = @transform_6, window_bounds = array<i64: 1, 128>}, {pipeline_mode = #tpu.pipeline_mode<synchronous>, transform_indices = @transform_7, window_bounds = array<i64: 256, 512>}, {pipeline_mode = #tpu.pipeline_mode<synchronous>, transform_indices = @transform_8, window_bounds = array<i64: 128, 512>}, {pipeline_mode = #tpu.pipeline_mode<synchronous>, transform_indices = @transform_9, window_bounds = array<i64: 1, 512>}, {transform_indices = @transform_10, window_bounds = array<i64: 512, 512>}]} {
    %get3A = arith.constant 0 : index
    %get3A_0 = arith.constant 0 : index
    %get3A_1 = vector.load %arg2[%get3A, %get3A_0] : memref<512x8xf32, #tpu.memory_space<vmem>>, vector<512x8xf32>
    %get3A_2 = arith.constant 0 : index
    %get3A_3 = arith.constant 0 : index
    %get3A_4 = arith.constant 0 : index
    %get3A_5 = vector.load %arg1[%get3A_2, %get3A_3, %get3A_4] : memref<8x512x128xf32, #tpu.memory_space<vmem>>, vector<1x512x3xf32>
    %get3A_6 = vector.shape_cast %get3A_5 : vector<1x512x3xf32> to vector<512x3xf32>
    %get3A_7 = arith.constant 1 : index
    %get3A_8 = arith.constant 0 : index
    %get3A_9 = arith.constant 0 : index
    %get3A_10 = vector.load %arg1[%get3A_7, %get3A_8, %get3A_9] : memref<8x512x128xf32, #tpu.memory_space<vmem>>, vector<1x512x3xf32>
    %get3A_11 = vector.shape_cast %get3A_10 : vector<1x512x3xf32> to vector<512x3xf32>
    %get3A_12 = arith.constant 2 : index
    %get3A_13 = arith.constant 0 : index
    %get3A_14 = arith.constant 0 : index
    %get3A_15 = vector.load %arg1[%get3A_12, %get3A_13, %get3A_14] : memref<8x512x128xf32, #tpu.memory_space<vmem>>, vector<1x512x3xf32>
    %get3A_16 = vector.shape_cast %get3A_15 : vector<1x512x3xf32> to vector<512x3xf32>
    %get3A_17 = arith.constant 3 : index
    %get3A_18 = arith.constant 0 : index
    %get3A_19 = arith.constant 0 : index
    %get3A_20 = vector.load %arg1[%get3A_17, %get3A_18, %get3A_19] : memref<8x512x128xf32, #tpu.memory_space<vmem>>, vector<1x512x3xf32>
    %get3A_21 = vector.shape_cast %get3A_20 : vector<1x512x3xf32> to vector<512x3xf32>
    %get3A_22 = arith.constant 4 : index
    %get3A_23 = arith.constant 0 : index
    %get3A_24 = arith.constant 0 : index
    %get3A_25 = vector.load %arg1[%get3A_22, %get3A_23, %get3A_24] : memref<8x512x128xf32, #tpu.memory_space<vmem>>, vector<1x512x3xf32>
    %get3A_26 = vector.shape_cast %get3A_25 : vector<1x512x3xf32> to vector<512x3xf32>
    %get3A_27 = arith.constant 5 : index
    %get3A_28 = arith.constant 0 : index
    %get3A_29 = arith.constant 0 : index
    %get3A_30 = vector.load %arg1[%get3A_27, %get3A_28, %get3A_29] : memref<8x512x128xf32, #tpu.memory_space<vmem>>, vector<1x512x3xf32>
    %get3A_31 = vector.shape_cast %get3A_30 : vector<1x512x3xf32> to vector<512x3xf32>
    %get3A_32 = arith.constant 6 : index
    %get3A_33 = arith.constant 0 : index
    %get3A_34 = arith.constant 0 : index
    %get3A_35 = vector.load %arg1[%get3A_32, %get3A_33, %get3A_34] : memref<8x512x128xf32, #tpu.memory_space<vmem>>, vector<1x512x3xf32>
    %get3A_36 = vector.shape_cast %get3A_35 : vector<1x512x3xf32> to vector<512x3xf32>
    %get3A_37 = arith.constant 7 : index
    %get3A_38 = arith.constant 0 : index
    %get3A_39 = arith.constant 0 : index
    %get3A_40 = vector.load %arg1[%get3A_37, %get3A_38, %get3A_39] : memref<8x512x128xf32, #tpu.memory_space<vmem>>, vector<1x512x3xf32>
    %get3A_41 = vector.shape_cast %get3A_40 : vector<1x512x3xf32> to vector<512x3xf32>
    %mul3A = arith.mulf %get3A_6, %get3A_6 : vector<512x3xf32>
    %reduce_sum3A = arith.constant dense<0.000000e+00> : vector<512xf32>
    %reduce_sum3A_42 = vector.multi_reduction <add>, %mul3A, %reduce_sum3A [1] : vector<512x3xf32> to vector<512xf32>
    %broadcast_in_dim3A = vector.shape_cast %reduce_sum3A_42 : vector<512xf32> to vector<512x1xf32>
    %mul3A_43 = arith.mulf %get3A_11, %get3A_11 : vector<512x3xf32>
    %reduce_sum3A_44 = arith.constant dense<0.000000e+00> : vector<512xf32>
    %reduce_sum3A_45 = vector.multi_reduction <add>, %mul3A_43, %reduce_sum3A_44 [1] : vector<512x3xf32> to vector<512xf32>
    %broadcast_in_dim3A_46 = vector.shape_cast %reduce_sum3A_45 : vector<512xf32> to vector<512x1xf32>
    %mul3A_47 = arith.mulf %get3A_16, %get3A_16 : vector<512x3xf32>
    %reduce_sum3A_48 = arith.constant dense<0.000000e+00> : vector<512xf32>
    %reduce_sum3A_49 = vector.multi_reduction <add>, %mul3A_47, %reduce_sum3A_48 [1] : vector<512x3xf32> to vector<512xf32>
    %broadcast_in_dim3A_50 = vector.shape_cast %reduce_sum3A_49 : vector<512xf32> to vector<512x1xf32>
    %mul3A_51 = arith.mulf %get3A_21, %get3A_21 : vector<512x3xf32>
    %reduce_sum3A_52 = arith.constant dense<0.000000e+00> : vector<512xf32>
    %reduce_sum3A_53 = vector.multi_reduction <add>, %mul3A_51, %reduce_sum3A_52 [1] : vector<512x3xf32> to vector<512xf32>
    %broadcast_in_dim3A_54 = vector.shape_cast %reduce_sum3A_53 : vector<512xf32> to vector<512x1xf32>
    %mul3A_55 = arith.mulf %get3A_26, %get3A_26 : vector<512x3xf32>
    %reduce_sum3A_56 = arith.constant dense<0.000000e+00> : vector<512xf32>
    %reduce_sum3A_57 = vector.multi_reduction <add>, %mul3A_55, %reduce_sum3A_56 [1] : vector<512x3xf32> to vector<512xf32>
    %broadcast_in_dim3A_58 = vector.shape_cast %reduce_sum3A_57 : vector<512xf32> to vector<512x1xf32>
    %mul3A_59 = arith.mulf %get3A_31, %get3A_31 : vector<512x3xf32>
    %reduce_sum3A_60 = arith.constant dense<0.000000e+00> : vector<512xf32>
    %reduce_sum3A_61 = vector.multi_reduction <add>, %mul3A_59, %reduce_sum3A_60 [1] : vector<512x3xf32> to vector<512xf32>
    %broadcast_in_dim3A_62 = vector.shape_cast %reduce_sum3A_61 : vector<512xf32> to vector<512x1xf32>
    %mul3A_63 = arith.mulf %get3A_36, %get3A_36 : vector<512x3xf32>
    %reduce_sum3A_64 = arith.constant dense<0.000000e+00> : vector<512xf32>
    %reduce_sum3A_65 = vector.multi_reduction <add>, %mul3A_63, %reduce_sum3A_64 [1] : vector<512x3xf32> to vector<512xf32>
    %broadcast_in_dim3A_66 = vector.shape_cast %reduce_sum3A_65 : vector<512xf32> to vector<512x1xf32>
    %mul3A_67 = arith.mulf %get3A_41, %get3A_41 : vector<512x3xf32>
    %reduce_sum3A_68 = arith.constant dense<0.000000e+00> : vector<512xf32>
    %reduce_sum3A_69 = vector.multi_reduction <add>, %mul3A_67, %reduce_sum3A_68 [1] : vector<512x3xf32> to vector<512xf32>
    %broadcast_in_dim3A_70 = vector.shape_cast %reduce_sum3A_69 : vector<512xf32> to vector<512x1xf32>
    %iota3A = tpu.iota {dimensions = array<i32: 0>} : vector<256x256xi32>
    %iota3A_71 = tpu.iota {dimensions = array<i32: 1>} : vector<256x256xi32>
    %eq3A = arith.cmpi eq, %iota3A, %iota3A_71 : vector<256x256xi32>
    %convert_element_type3A = arith.extui %eq3A : vector<256x256xi1> to vector<256x256xi32>
    %convert_element_type3A_72 = arith.sitofp %convert_element_type3A : vector<256x256xi32> to vector<256x256xf32>
    %slice3A = vector.extract_strided_slice %get3A_1 {offsets = [0, 1], sizes = [512, 1], strides = [1, 1]} : vector<512x8xf32> to vector<512x1xf32>
    %slice3A_73 = vector.extract_strided_slice %get3A_1 {offsets = [0, 2], sizes = [512, 1], strides = [1, 1]} : vector<512x8xf32> to vector<512x1xf32>
    %slice3A_74 = vector.extract_strided_slice %get3A_1 {offsets = [0, 3], sizes = [512, 1], strides = [1, 1]} : vector<512x8xf32> to vector<512x1xf32>
    %slice3A_75 = vector.extract_strided_slice %get3A_11 {offsets = [0, 0], sizes = [256, 3], strides = [1, 1]} : vector<512x3xf32> to vector<256x3xf32>
    %slice3A_76 = vector.extract_strided_slice %get3A_16 {offsets = [0, 0], sizes = [256, 3], strides = [1, 1]} : vector<512x3xf32> to vector<256x3xf32>
    %dot_general3A = arith.constant dense<0.000000e+00> : vector<256x256xf32>
    %dot_general3A_77 = tpu.matmul %slice3A_75, %slice3A_76, %dot_general3A {dimension_numbers = #tpu.dot_dimension_numbers<[1], [1], [0], [0], [0, 0, 1, 0], [], []>, transpose_lhs_hint = false} : vector<256x3xf32>, vector<256x3xf32>, vector<256x256xf32> -> vector<256x256xf32>
    %mul3A_78 = arith.mulf %dot_general3A_77, %convert_element_type3A_72 : vector<256x256xf32>
    %reduce_sum3A_79 = arith.constant dense<0.000000e+00> : vector<256xf32>
    %reduce_sum3A_80 = vector.multi_reduction <add>, %mul3A_78, %reduce_sum3A_79 [1] : vector<256x256xf32> to vector<256xf32>
    %broadcast_in_dim3A_81 = vector.shape_cast %reduce_sum3A_80 : vector<256xf32> to vector<256x1xf32>
    %slice3A_82 = vector.extract_strided_slice %get3A_11 {offsets = [256, 0], sizes = [256, 3], strides = [1, 1]} : vector<512x3xf32> to vector<256x3xf32>
    %slice3A_83 = vector.extract_strided_slice %get3A_16 {offsets = [256, 0], sizes = [256, 3], strides = [1, 1]} : vector<512x3xf32> to vector<256x3xf32>
    %dot_general3A_84 = arith.constant dense<0.000000e+00> : vector<256x256xf32>
    %dot_general3A_85 = tpu.matmul %slice3A_82, %slice3A_83, %dot_general3A_84 {dimension_numbers = #tpu.dot_dimension_numbers<[1], [1], [0], [0], [0, 0, 1, 0], [], []>, transpose_lhs_hint = false} : vector<256x3xf32>, vector<256x3xf32>, vector<256x256xf32> -> vector<256x256xf32>
    %mul3A_86 = arith.mulf %dot_general3A_85, %convert_element_type3A_72 : vector<256x256xf32>
    %reduce_sum3A_87 = arith.constant dense<0.000000e+00> : vector<256xf32>
    %reduce_sum3A_88 = vector.multi_reduction <add>, %mul3A_86, %reduce_sum3A_87 [1] : vector<256x256xf32> to vector<256xf32>
    %broadcast_in_dim3A_89 = vector.shape_cast %reduce_sum3A_88 : vector<256xf32> to vector<256x1xf32>
    %concatenate3A = tpu.concatenate %broadcast_in_dim3A_81, %broadcast_in_dim3A_89 in 0 : vector<256x1xf32>, vector<256x1xf32> -> vector<512x1xf32>
    %add3A = arith.addf %broadcast_in_dim3A_46, %broadcast_in_dim3A_50 : vector<512x1xf32>
    %mul3A_90 = arith.constant 2.000000e+00 : f32
    %mul3A_91 = vector.broadcast %mul3A_90 : f32 to vector<512x1xf32>
    %mul3A_92 = arith.mulf %mul3A_91, %concatenate3A : vector<512x1xf32>
    %sub3A = arith.subf %add3A, %mul3A_92 : vector<512x1xf32>
    %max3A = arith.constant 0.000000e+00 : f32
    %max3A_93 = vector.broadcast %max3A : f32 to vector<512x1xf32>
    %max3A_94 = arith.maximumf %sub3A, %max3A_93 : vector<512x1xf32>
    %add3A_95 = arith.constant 9.99999993E-9 : f32
    %add3A_96 = vector.broadcast %add3A_95 : f32 to vector<512x1xf32>
    %add3A_97 = arith.addf %max3A_94, %add3A_96 : vector<512x1xf32>
    %sqrt3A = math.sqrt %add3A_97 : vector<512x1xf32>
    %slice3A_98 = vector.extract_strided_slice %get3A_11 {offsets = [0, 0], sizes = [256, 3], strides = [1, 1]} : vector<512x3xf32> to vector<256x3xf32>
    %slice3A_99 = vector.extract_strided_slice %get3A_21 {offsets = [0, 0], sizes = [256, 3], strides = [1, 1]} : vector<512x3xf32> to vector<256x3xf32>
    %dot_general3A_100 = arith.constant dense<0.000000e+00> : vector<256x256xf32>
    %dot_general3A_101 = tpu.matmul %slice3A_98, %slice3A_99, %dot_general3A_100 {dimension_numbers = #tpu.dot_dimension_numbers<[1], [1], [0], [0], [0, 0, 1, 0], [], []>, transpose_lhs_hint = false} : vector<256x3xf32>, vector<256x3xf32>, vector<256x256xf32> -> vector<256x256xf32>
    %mul3A_102 = arith.mulf %dot_general3A_101, %convert_element_type3A_72 : vector<256x256xf32>
    %reduce_sum3A_103 = arith.constant dense<0.000000e+00> : vector<256xf32>
    %reduce_sum3A_104 = vector.multi_reduction <add>, %mul3A_102, %reduce_sum3A_103 [1] : vector<256x256xf32> to vector<256xf32>
    %broadcast_in_dim3A_105 = vector.shape_cast %reduce_sum3A_104 : vector<256xf32> to vector<256x1xf32>
    %slice3A_106 = vector.extract_strided_slice %get3A_11 {offsets = [256, 0], sizes = [256, 3], strides = [1, 1]} : vector<512x3xf32> to vector<256x3xf32>
    %slice3A_107 = vector.extract_strided_slice %get3A_21 {offsets = [256, 0], sizes = [256, 3], strides = [1, 1]} : vector<512x3xf32> to vector<256x3xf32>
    %dot_general3A_108 = arith.constant dense<0.000000e+00> : vector<256x256xf32>
    %dot_general3A_109 = tpu.matmul %slice3A_106, %slice3A_107, %dot_general3A_108 {dimension_numbers = #tpu.dot_dimension_numbers<[1], [1], [0], [0], [0, 0, 1, 0], [], []>, transpose_lhs_hint = false} : vector<256x3xf32>, vector<256x3xf32>, vector<256x256xf32> -> vector<256x256xf32>
    %mul3A_110 = arith.mulf %dot_general3A_109, %convert_element_type3A_72 : vector<256x256xf32>
    %reduce_sum3A_111 = arith.constant dense<0.000000e+00> : vector<256xf32>
    %reduce_sum3A_112 = vector.multi_reduction <add>, %mul3A_110, %reduce_sum3A_111 [1] : vector<256x256xf32> to vector<256xf32>
    %broadcast_in_dim3A_113 = vector.shape_cast %reduce_sum3A_112 : vector<256xf32> to vector<256x1xf32>
    %concatenate3A_114 = tpu.concatenate %broadcast_in_dim3A_105, %broadcast_in_dim3A_113 in 0 : vector<256x1xf32>, vector<256x1xf32> -> vector<512x1xf32>
    %add3A_115 = arith.addf %broadcast_in_dim3A_46, %broadcast_in_dim3A_54 : vector<512x1xf32>
    %mul3A_116 = arith.constant 2.000000e+00 : f32
    %mul3A_117 = vector.broadcast %mul3A_116 : f32 to vector<512x1xf32>
    %mul3A_118 = arith.mulf %mul3A_117, %concatenate3A_114 : vector<512x1xf32>
    %sub3A_119 = arith.subf %add3A_115, %mul3A_118 : vector<512x1xf32>
    %max3A_120 = arith.constant 0.000000e+00 : f32
    %max3A_121 = vector.broadcast %max3A_120 : f32 to vector<512x1xf32>
    %max3A_122 = arith.maximumf %sub3A_119, %max3A_121 : vector<512x1xf32>
    %add3A_123 = arith.constant 9.99999993E-9 : f32
    %add3A_124 = vector.broadcast %add3A_123 : f32 to vector<512x1xf32>
    %add3A_125 = arith.addf %max3A_122, %add3A_124 : vector<512x1xf32>
    %sqrt3A_126 = math.sqrt %add3A_125 : vector<512x1xf32>
    %slice3A_127 = vector.extract_strided_slice %get3A_16 {offsets = [0, 0], sizes = [256, 3], strides = [1, 1]} : vector<512x3xf32> to vector<256x3xf32>
    %slice3A_128 = vector.extract_strided_slice %get3A_21 {offsets = [0, 0], sizes = [256, 3], strides = [1, 1]} : vector<512x3xf32> to vector<256x3xf32>
    %dot_general3A_129 = arith.constant dense<0.000000e+00> : vector<256x256xf32>
    %dot_general3A_130 = tpu.matmul %slice3A_127, %slice3A_128, %dot_general3A_129 {dimension_numbers = #tpu.dot_dimension_numbers<[1], [1], [0], [0], [0, 0, 1, 0], [], []>, transpose_lhs_hint = false} : vector<256x3xf32>, vector<256x3xf32>, vector<256x256xf32> -> vector<256x256xf32>
    %mul3A_131 = arith.mulf %dot_general3A_130, %convert_element_type3A_72 : vector<256x256xf32>
    %reduce_sum3A_132 = arith.constant dense<0.000000e+00> : vector<256xf32>
    %reduce_sum3A_133 = vector.multi_reduction <add>, %mul3A_131, %reduce_sum3A_132 [1] : vector<256x256xf32> to vector<256xf32>
    %broadcast_in_dim3A_134 = vector.shape_cast %reduce_sum3A_133 : vector<256xf32> to vector<256x1xf32>
    %slice3A_135 = vector.extract_strided_slice %get3A_16 {offsets = [256, 0], sizes = [256, 3], strides = [1, 1]} : vector<512x3xf32> to vector<256x3xf32>
    %slice3A_136 = vector.extract_strided_slice %get3A_21 {offsets = [256, 0], sizes = [256, 3], strides = [1, 1]} : vector<512x3xf32> to vector<256x3xf32>
    %dot_general3A_137 = arith.constant dense<0.000000e+00> : vector<256x256xf32>
    %dot_general3A_138 = tpu.matmul %slice3A_135, %slice3A_136, %dot_general3A_137 {dimension_numbers = #tpu.dot_dimension_numbers<[1], [1], [0], [0], [0, 0, 1, 0], [], []>, transpose_lhs_hint = false} : vector<256x3xf32>, vector<256x3xf32>, vector<256x256xf32> -> vector<256x256xf32>
    %mul3A_139 = arith.mulf %dot_general3A_138, %convert_element_type3A_72 : vector<256x256xf32>
    %reduce_sum3A_140 = arith.constant dense<0.000000e+00> : vector<256xf32>
    %reduce_sum3A_141 = vector.multi_reduction <add>, %mul3A_139, %reduce_sum3A_140 [1] : vector<256x256xf32> to vector<256xf32>
    %broadcast_in_dim3A_142 = vector.shape_cast %reduce_sum3A_141 : vector<256xf32> to vector<256x1xf32>
    %concatenate3A_143 = tpu.concatenate %broadcast_in_dim3A_134, %broadcast_in_dim3A_142 in 0 : vector<256x1xf32>, vector<256x1xf32> -> vector<512x1xf32>
    %add3A_144 = arith.addf %broadcast_in_dim3A_50, %broadcast_in_dim3A_54 : vector<512x1xf32>
    %mul3A_145 = arith.constant 2.000000e+00 : f32
    %mul3A_146 = vector.broadcast %mul3A_145 : f32 to vector<512x1xf32>
    %mul3A_147 = arith.mulf %mul3A_146, %concatenate3A_143 : vector<512x1xf32>
    %sub3A_148 = arith.subf %add3A_144, %mul3A_147 : vector<512x1xf32>
    %max3A_149 = arith.constant 0.000000e+00 : f32
    %max3A_150 = vector.broadcast %max3A_149 : f32 to vector<512x1xf32>
    %max3A_151 = arith.maximumf %sub3A_148, %max3A_150 : vector<512x1xf32>
    %add3A_152 = arith.constant 9.99999993E-9 : f32
    %add3A_153 = vector.broadcast %add3A_152 : f32 to vector<512x1xf32>
    %add3A_154 = arith.addf %max3A_151, %add3A_153 : vector<512x1xf32>
    %sqrt3A_155 = math.sqrt %add3A_154 : vector<512x1xf32>
    %slice3A_156 = vector.extract_strided_slice %get3A_1 {offsets = [0, 5], sizes = [512, 1], strides = [1, 1]} : vector<512x8xf32> to vector<512x1xf32>
    %slice3A_157 = vector.extract_strided_slice %get3A_1 {offsets = [0, 6], sizes = [512, 1], strides = [1, 1]} : vector<512x8xf32> to vector<512x1xf32>
    %slice3A_158 = vector.extract_strided_slice %get3A_1 {offsets = [0, 7], sizes = [512, 1], strides = [1, 1]} : vector<512x8xf32> to vector<512x1xf32>
    %slice3A_159 = vector.extract_strided_slice %get3A_31 {offsets = [0, 0], sizes = [256, 3], strides = [1, 1]} : vector<512x3xf32> to vector<256x3xf32>
    %slice3A_160 = vector.extract_strided_slice %get3A_36 {offsets = [0, 0], sizes = [256, 3], strides = [1, 1]} : vector<512x3xf32> to vector<256x3xf32>
    %dot_general3A_161 = arith.constant dense<0.000000e+00> : vector<256x256xf32>
    %dot_general3A_162 = tpu.matmul %slice3A_159, %slice3A_160, %dot_general3A_161 {dimension_numbers = #tpu.dot_dimension_numbers<[1], [1], [0], [0], [0, 0, 1, 0], [], []>, transpose_lhs_hint = false} : vector<256x3xf32>, vector<256x3xf32>, vector<256x256xf32> -> vector<256x256xf32>
    %mul3A_163 = arith.mulf %dot_general3A_162, %convert_element_type3A_72 : vector<256x256xf32>
    %reduce_sum3A_164 = arith.constant dense<0.000000e+00> : vector<256xf32>
    %reduce_sum3A_165 = vector.multi_reduction <add>, %mul3A_163, %reduce_sum3A_164 [1] : vector<256x256xf32> to vector<256xf32>
    %broadcast_in_dim3A_166 = vector.shape_cast %reduce_sum3A_165 : vector<256xf32> to vector<256x1xf32>
    %slice3A_167 = vector.extract_strided_slice %get3A_31 {offsets = [256, 0], sizes = [256, 3], strides = [1, 1]} : vector<512x3xf32> to vector<256x3xf32>
    %slice3A_168 = vector.extract_strided_slice %get3A_36 {offsets = [256, 0], sizes = [256, 3], strides = [1, 1]} : vector<512x3xf32> to vector<256x3xf32>
    %dot_general3A_169 = arith.constant dense<0.000000e+00> : vector<256x256xf32>
    %dot_general3A_170 = tpu.matmul %slice3A_167, %slice3A_168, %dot_general3A_169 {dimension_numbers = #tpu.dot_dimension_numbers<[1], [1], [0], [0], [0, 0, 1, 0], [], []>, transpose_lhs_hint = false} : vector<256x3xf32>, vector<256x3xf32>, vector<256x256xf32> -> vector<256x256xf32>
    %mul3A_171 = arith.mulf %dot_general3A_170, %convert_element_type3A_72 : vector<256x256xf32>
    %reduce_sum3A_172 = arith.constant dense<0.000000e+00> : vector<256xf32>
    %reduce_sum3A_173 = vector.multi_reduction <add>, %mul3A_171, %reduce_sum3A_172 [1] : vector<256x256xf32> to vector<256xf32>
    %broadcast_in_dim3A_174 = vector.shape_cast %reduce_sum3A_173 : vector<256xf32> to vector<256x1xf32>
    %concatenate3A_175 = tpu.concatenate %broadcast_in_dim3A_166, %broadcast_in_dim3A_174 in 0 : vector<256x1xf32>, vector<256x1xf32> -> vector<512x1xf32>
    %add3A_176 = arith.addf %broadcast_in_dim3A_62, %broadcast_in_dim3A_66 : vector<512x1xf32>
    %mul3A_177 = arith.constant 2.000000e+00 : f32
    %mul3A_178 = vector.broadcast %mul3A_177 : f32 to vector<512x1xf32>
    %mul3A_179 = arith.mulf %mul3A_178, %concatenate3A_175 : vector<512x1xf32>
    %sub3A_180 = arith.subf %add3A_176, %mul3A_179 : vector<512x1xf32>
    %max3A_181 = arith.constant 0.000000e+00 : f32
    %max3A_182 = vector.broadcast %max3A_181 : f32 to vector<512x1xf32>
    %max3A_183 = arith.maximumf %sub3A_180, %max3A_182 : vector<512x1xf32>
    %add3A_184 = arith.constant 9.99999993E-9 : f32
    %add3A_185 = vector.broadcast %add3A_184 : f32 to vector<512x1xf32>
    %add3A_186 = arith.addf %max3A_183, %add3A_185 : vector<512x1xf32>
    %sqrt3A_187 = math.sqrt %add3A_186 : vector<512x1xf32>
    %slice3A_188 = vector.extract_strided_slice %get3A_31 {offsets = [0, 0], sizes = [256, 3], strides = [1, 1]} : vector<512x3xf32> to vector<256x3xf32>
    %slice3A_189 = vector.extract_strided_slice %get3A_41 {offsets = [0, 0], sizes = [256, 3], strides = [1, 1]} : vector<512x3xf32> to vector<256x3xf32>
    %dot_general3A_190 = arith.constant dense<0.000000e+00> : vector<256x256xf32>
    %dot_general3A_191 = tpu.matmul %slice3A_188, %slice3A_189, %dot_general3A_190 {dimension_numbers = #tpu.dot_dimension_numbers<[1], [1], [0], [0], [0, 0, 1, 0], [], []>, transpose_lhs_hint = false} : vector<256x3xf32>, vector<256x3xf32>, vector<256x256xf32> -> vector<256x256xf32>
    %mul3A_192 = arith.mulf %dot_general3A_191, %convert_element_type3A_72 : vector<256x256xf32>
    %reduce_sum3A_193 = arith.constant dense<0.000000e+00> : vector<256xf32>
    %reduce_sum3A_194 = vector.multi_reduction <add>, %mul3A_192, %reduce_sum3A_193 [1] : vector<256x256xf32> to vector<256xf32>
    %broadcast_in_dim3A_195 = vector.shape_cast %reduce_sum3A_194 : vector<256xf32> to vector<256x1xf32>
    %slice3A_196 = vector.extract_strided_slice %get3A_31 {offsets = [256, 0], sizes = [256, 3], strides = [1, 1]} : vector<512x3xf32> to vector<256x3xf32>
    %slice3A_197 = vector.extract_strided_slice %get3A_41 {offsets = [256, 0], sizes = [256, 3], strides = [1, 1]} : vector<512x3xf32> to vector<256x3xf32>
    %dot_general3A_198 = arith.constant dense<0.000000e+00> : vector<256x256xf32>
    %dot_general3A_199 = tpu.matmul %slice3A_196, %slice3A_197, %dot_general3A_198 {dimension_numbers = #tpu.dot_dimension_numbers<[1], [1], [0], [0], [0, 0, 1, 0], [], []>, transpose_lhs_hint = false} : vector<256x3xf32>, vector<256x3xf32>, vector<256x256xf32> -> vector<256x256xf32>
    %mul3A_200 = arith.mulf %dot_general3A_199, %convert_element_type3A_72 : vector<256x256xf32>
    %reduce_sum3A_201 = arith.constant dense<0.000000e+00> : vector<256xf32>
    %reduce_sum3A_202 = vector.multi_reduction <add>, %mul3A_200, %reduce_sum3A_201 [1] : vector<256x256xf32> to vector<256xf32>
    %broadcast_in_dim3A_203 = vector.shape_cast %reduce_sum3A_202 : vector<256xf32> to vector<256x1xf32>
    %concatenate3A_204 = tpu.concatenate %broadcast_in_dim3A_195, %broadcast_in_dim3A_203 in 0 : vector<256x1xf32>, vector<256x1xf32> -> vector<512x1xf32>
    %add3A_205 = arith.addf %broadcast_in_dim3A_62, %broadcast_in_dim3A_70 : vector<512x1xf32>
    %mul3A_206 = arith.constant 2.000000e+00 : f32
    %mul3A_207 = vector.broadcast %mul3A_206 : f32 to vector<512x1xf32>
    %mul3A_208 = arith.mulf %mul3A_207, %concatenate3A_204 : vector<512x1xf32>
    %sub3A_209 = arith.subf %add3A_205, %mul3A_208 : vector<512x1xf32>
    %max3A_210 = arith.constant 0.000000e+00 : f32
    %max3A_211 = vector.broadcast %max3A_210 : f32 to vector<512x1xf32>
    %max3A_212 = arith.maximumf %sub3A_209, %max3A_211 : vector<512x1xf32>
    %add3A_213 = arith.constant 9.99999993E-9 : f32
    %add3A_214 = vector.broadcast %add3A_213 : f32 to vector<512x1xf32>
    %add3A_215 = arith.addf %max3A_212, %add3A_214 : vector<512x1xf32>
    %sqrt3A_216 = math.sqrt %add3A_215 : vector<512x1xf32>
    %slice3A_217 = vector.extract_strided_slice %get3A_36 {offsets = [0, 0], sizes = [256, 3], strides = [1, 1]} : vector<512x3xf32> to vector<256x3xf32>
    %slice3A_218 = vector.extract_strided_slice %get3A_41 {offsets = [0, 0], sizes = [256, 3], strides = [1, 1]} : vector<512x3xf32> to vector<256x3xf32>
    %dot_general3A_219 = arith.constant dense<0.000000e+00> : vector<256x256xf32>
    %dot_general3A_220 = tpu.matmul %slice3A_217, %slice3A_218, %dot_general3A_219 {dimension_numbers = #tpu.dot_dimension_numbers<[1], [1], [0], [0], [0, 0, 1, 0], [], []>, transpose_lhs_hint = false} : vector<256x3xf32>, vector<256x3xf32>, vector<256x256xf32> -> vector<256x256xf32>
    %mul3A_221 = arith.mulf %dot_general3A_220, %convert_element_type3A_72 : vector<256x256xf32>
    %reduce_sum3A_222 = arith.constant dense<0.000000e+00> : vector<256xf32>
    %reduce_sum3A_223 = vector.multi_reduction <add>, %mul3A_221, %reduce_sum3A_222 [1] : vector<256x256xf32> to vector<256xf32>
    %broadcast_in_dim3A_224 = vector.shape_cast %reduce_sum3A_223 : vector<256xf32> to vector<256x1xf32>
    %slice3A_225 = vector.extract_strided_slice %get3A_36 {offsets = [256, 0], sizes = [256, 3], strides = [1, 1]} : vector<512x3xf32> to vector<256x3xf32>
    %slice3A_226 = vector.extract_strided_slice %get3A_41 {offsets = [256, 0], sizes = [256, 3], strides = [1, 1]} : vector<512x3xf32> to vector<256x3xf32>
    %dot_general3A_227 = arith.constant dense<0.000000e+00> : vector<256x256xf32>
    %dot_general3A_228 = tpu.matmul %slice3A_225, %slice3A_226, %dot_general3A_227 {dimension_numbers = #tpu.dot_dimension_numbers<[1], [1], [0], [0], [0, 0, 1, 0], [], []>, transpose_lhs_hint = false} : vector<256x3xf32>, vector<256x3xf32>, vector<256x256xf32> -> vector<256x256xf32>
    %mul3A_229 = arith.mulf %dot_general3A_228, %convert_element_type3A_72 : vector<256x256xf32>
    %reduce_sum3A_230 = arith.constant dense<0.000000e+00> : vector<256xf32>
    %reduce_sum3A_231 = vector.multi_reduction <add>, %mul3A_229, %reduce_sum3A_230 [1] : vector<256x256xf32> to vector<256xf32>
    %broadcast_in_dim3A_232 = vector.shape_cast %reduce_sum3A_231 : vector<256xf32> to vector<256x1xf32>
    %concatenate3A_233 = tpu.concatenate %broadcast_in_dim3A_224, %broadcast_in_dim3A_232 in 0 : vector<256x1xf32>, vector<256x1xf32> -> vector<512x1xf32>
    %add3A_234 = arith.addf %broadcast_in_dim3A_66, %broadcast_in_dim3A_70 : vector<512x1xf32>
    %mul3A_235 = arith.constant 2.000000e+00 : f32
    %mul3A_236 = vector.broadcast %mul3A_235 : f32 to vector<512x1xf32>
    %mul3A_237 = arith.mulf %mul3A_236, %concatenate3A_233 : vector<512x1xf32>
    %sub3A_238 = arith.subf %add3A_234, %mul3A_237 : vector<512x1xf32>
    %max3A_239 = arith.constant 0.000000e+00 : f32
    %max3A_240 = vector.broadcast %max3A_239 : f32 to vector<512x1xf32>
    %max3A_241 = arith.maximumf %sub3A_238, %max3A_240 : vector<512x1xf32>
    %add3A_242 = arith.constant 9.99999993E-9 : f32
    %add3A_243 = vector.broadcast %add3A_242 : f32 to vector<512x1xf32>
    %add3A_244 = arith.addf %max3A_241, %add3A_243 : vector<512x1xf32>
    %sqrt3A_245 = math.sqrt %add3A_244 : vector<512x1xf32>
    %slice3A_246 = vector.extract_strided_slice %get3A_6 {offsets = [0, 0], sizes = [256, 3], strides = [1, 1]} : vector<512x3xf32> to vector<256x3xf32>
    %slice3A_247 = vector.extract_strided_slice %get3A_26 {offsets = [0, 0], sizes = [256, 3], strides = [1, 1]} : vector<512x3xf32> to vector<256x3xf32>
    %dot_general3A_248 = arith.constant dense<0.000000e+00> : vector<256x256xf32>
    %dot_general3A_249 = tpu.matmul %slice3A_246, %slice3A_247, %dot_general3A_248 {dimension_numbers = #tpu.dot_dimension_numbers<[1], [1], [0], [0], [0, 0, 1, 0], [], []>, transpose_lhs_hint = false} : vector<256x3xf32>, vector<256x3xf32>, vector<256x256xf32> -> vector<256x256xf32>
    %mul3A_250 = arith.mulf %dot_general3A_249, %convert_element_type3A_72 : vector<256x256xf32>
    %reduce_sum3A_251 = arith.constant dense<0.000000e+00> : vector<256xf32>
    %reduce_sum3A_252 = vector.multi_reduction <add>, %mul3A_250, %reduce_sum3A_251 [1] : vector<256x256xf32> to vector<256xf32>
    %broadcast_in_dim3A_253 = vector.shape_cast %reduce_sum3A_252 : vector<256xf32> to vector<256x1xf32>
    %slice3A_254 = vector.extract_strided_slice %get3A_6 {offsets = [256, 0], sizes = [256, 3], strides = [1, 1]} : vector<512x3xf32> to vector<256x3xf32>
    %slice3A_255 = vector.extract_strided_slice %get3A_26 {offsets = [256, 0], sizes = [256, 3], strides = [1, 1]} : vector<512x3xf32> to vector<256x3xf32>
    %dot_general3A_256 = arith.constant dense<0.000000e+00> : vector<256x256xf32>
    %dot_general3A_257 = tpu.matmul %slice3A_254, %slice3A_255, %dot_general3A_256 {dimension_numbers = #tpu.dot_dimension_numbers<[1], [1], [0], [0], [0, 0, 1, 0], [], []>, transpose_lhs_hint = false} : vector<256x3xf32>, vector<256x3xf32>, vector<256x256xf32> -> vector<256x256xf32>
    %mul3A_258 = arith.mulf %dot_general3A_257, %convert_element_type3A_72 : vector<256x256xf32>
    %reduce_sum3A_259 = arith.constant dense<0.000000e+00> : vector<256xf32>
    %reduce_sum3A_260 = vector.multi_reduction <add>, %mul3A_258, %reduce_sum3A_259 [1] : vector<256x256xf32> to vector<256xf32>
    %broadcast_in_dim3A_261 = vector.shape_cast %reduce_sum3A_260 : vector<256xf32> to vector<256x1xf32>
    %concatenate3A_262 = tpu.concatenate %broadcast_in_dim3A_253, %broadcast_in_dim3A_261 in 0 : vector<256x1xf32>, vector<256x1xf32> -> vector<512x1xf32>
    %add3A_263 = arith.addf %broadcast_in_dim3A, %broadcast_in_dim3A_58 : vector<512x1xf32>
    %mul3A_264 = arith.constant 2.000000e+00 : f32
    %mul3A_265 = vector.broadcast %mul3A_264 : f32 to vector<512x1xf32>
    %mul3A_266 = arith.mulf %mul3A_265, %concatenate3A_262 : vector<512x1xf32>
    %sub3A_267 = arith.subf %add3A_263, %mul3A_266 : vector<512x1xf32>
    %max3A_268 = arith.constant 0.000000e+00 : f32
    %max3A_269 = vector.broadcast %max3A_268 : f32 to vector<512x1xf32>
    %max3A_270 = arith.maximumf %sub3A_267, %max3A_269 : vector<512x1xf32>
    %add3A_271 = arith.constant 9.99999993E-9 : f32
    %add3A_272 = vector.broadcast %add3A_271 : f32 to vector<512x1xf32>
    %add3A_273 = arith.addf %max3A_270, %add3A_272 : vector<512x1xf32>
    %sqrt3A_274 = math.sqrt %add3A_273 : vector<512x1xf32>
    %slice3A_275 = vector.extract_strided_slice %get3A_6 {offsets = [0, 0], sizes = [256, 3], strides = [1, 1]} : vector<512x3xf32> to vector<256x3xf32>
    %slice3A_276 = vector.extract_strided_slice %get3A_31 {offsets = [0, 0], sizes = [256, 3], strides = [1, 1]} : vector<512x3xf32> to vector<256x3xf32>
    %dot_general3A_277 = arith.constant dense<0.000000e+00> : vector<256x256xf32>
    %dot_general3A_278 = tpu.matmul %slice3A_275, %slice3A_276, %dot_general3A_277 {dimension_numbers = #tpu.dot_dimension_numbers<[1], [1], [0], [0], [0, 0, 1, 0], [], []>, transpose_lhs_hint = false} : vector<256x3xf32>, vector<256x3xf32>, vector<256x256xf32> -> vector<256x256xf32>
    %mul3A_279 = arith.mulf %dot_general3A_278, %convert_element_type3A_72 : vector<256x256xf32>
    %reduce_sum3A_280 = arith.constant dense<0.000000e+00> : vector<256xf32>
    %reduce_sum3A_281 = vector.multi_reduction <add>, %mul3A_279, %reduce_sum3A_280 [1] : vector<256x256xf32> to vector<256xf32>
    %broadcast_in_dim3A_282 = vector.shape_cast %reduce_sum3A_281 : vector<256xf32> to vector<256x1xf32>
    %slice3A_283 = vector.extract_strided_slice %get3A_6 {offsets = [256, 0], sizes = [256, 3], strides = [1, 1]} : vector<512x3xf32> to vector<256x3xf32>
    %slice3A_284 = vector.extract_strided_slice %get3A_31 {offsets = [256, 0], sizes = [256, 3], strides = [1, 1]} : vector<512x3xf32> to vector<256x3xf32>
    %dot_general3A_285 = arith.constant dense<0.000000e+00> : vector<256x256xf32>
    %dot_general3A_286 = tpu.matmul %slice3A_283, %slice3A_284, %dot_general3A_285 {dimension_numbers = #tpu.dot_dimension_numbers<[1], [1], [0], [0], [0, 0, 1, 0], [], []>, transpose_lhs_hint = false} : vector<256x3xf32>, vector<256x3xf32>, vector<256x256xf32> -> vector<256x256xf32>
    %mul3A_287 = arith.mulf %dot_general3A_286, %convert_element_type3A_72 : vector<256x256xf32>
    %reduce_sum3A_288 = arith.constant dense<0.000000e+00> : vector<256xf32>
    %reduce_sum3A_289 = vector.multi_reduction <add>, %mul3A_287, %reduce_sum3A_288 [1] : vector<256x256xf32> to vector<256xf32>
    %broadcast_in_dim3A_290 = vector.shape_cast %reduce_sum3A_289 : vector<256xf32> to vector<256x1xf32>
    %concatenate3A_291 = tpu.concatenate %broadcast_in_dim3A_282, %broadcast_in_dim3A_290 in 0 : vector<256x1xf32>, vector<256x1xf32> -> vector<512x1xf32>
    %add3A_292 = arith.addf %broadcast_in_dim3A, %broadcast_in_dim3A_62 : vector<512x1xf32>
    %mul3A_293 = arith.constant 2.000000e+00 : f32
    %mul3A_294 = vector.broadcast %mul3A_293 : f32 to vector<512x1xf32>
    %mul3A_295 = arith.mulf %mul3A_294, %concatenate3A_291 : vector<512x1xf32>
    %sub3A_296 = arith.subf %add3A_292, %mul3A_295 : vector<512x1xf32>
    %max3A_297 = arith.constant 0.000000e+00 : f32
    %max3A_298 = vector.broadcast %max3A_297 : f32 to vector<512x1xf32>
    %max3A_299 = arith.maximumf %sub3A_296, %max3A_298 : vector<512x1xf32>
    %add3A_300 = arith.constant 9.99999993E-9 : f32
    %add3A_301 = vector.broadcast %add3A_300 : f32 to vector<512x1xf32>
    %add3A_302 = arith.addf %max3A_299, %add3A_301 : vector<512x1xf32>
    %sqrt3A_303 = math.sqrt %add3A_302 : vector<512x1xf32>
    %slice3A_304 = vector.extract_strided_slice %get3A_6 {offsets = [0, 0], sizes = [256, 3], strides = [1, 1]} : vector<512x3xf32> to vector<256x3xf32>
    %slice3A_305 = vector.extract_strided_slice %get3A_36 {offsets = [0, 0], sizes = [256, 3], strides = [1, 1]} : vector<512x3xf32> to vector<256x3xf32>
    %dot_general3A_306 = arith.constant dense<0.000000e+00> : vector<256x256xf32>
    %dot_general3A_307 = tpu.matmul %slice3A_304, %slice3A_305, %dot_general3A_306 {dimension_numbers = #tpu.dot_dimension_numbers<[1], [1], [0], [0], [0, 0, 1, 0], [], []>, transpose_lhs_hint = false} : vector<256x3xf32>, vector<256x3xf32>, vector<256x256xf32> -> vector<256x256xf32>
    %mul3A_308 = arith.mulf %dot_general3A_307, %convert_element_type3A_72 : vector<256x256xf32>
    %reduce_sum3A_309 = arith.constant dense<0.000000e+00> : vector<256xf32>
    %reduce_sum3A_310 = vector.multi_reduction <add>, %mul3A_308, %reduce_sum3A_309 [1] : vector<256x256xf32> to vector<256xf32>
    %broadcast_in_dim3A_311 = vector.shape_cast %reduce_sum3A_310 : vector<256xf32> to vector<256x1xf32>
    %slice3A_312 = vector.extract_strided_slice %get3A_6 {offsets = [256, 0], sizes = [256, 3], strides = [1, 1]} : vector<512x3xf32> to vector<256x3xf32>
    %slice3A_313 = vector.extract_strided_slice %get3A_36 {offsets = [256, 0], sizes = [256, 3], strides = [1, 1]} : vector<512x3xf32> to vector<256x3xf32>
    %dot_general3A_314 = arith.constant dense<0.000000e+00> : vector<256x256xf32>
    %dot_general3A_315 = tpu.matmul %slice3A_312, %slice3A_313, %dot_general3A_314 {dimension_numbers = #tpu.dot_dimension_numbers<[1], [1], [0], [0], [0, 0, 1, 0], [], []>, transpose_lhs_hint = false} : vector<256x3xf32>, vector<256x3xf32>, vector<256x256xf32> -> vector<256x256xf32>
    %mul3A_316 = arith.mulf %dot_general3A_315, %convert_element_type3A_72 : vector<256x256xf32>
    %reduce_sum3A_317 = arith.constant dense<0.000000e+00> : vector<256xf32>
    %reduce_sum3A_318 = vector.multi_reduction <add>, %mul3A_316, %reduce_sum3A_317 [1] : vector<256x256xf32> to vector<256xf32>
    %broadcast_in_dim3A_319 = vector.shape_cast %reduce_sum3A_318 : vector<256xf32> to vector<256x1xf32>
    %concatenate3A_320 = tpu.concatenate %broadcast_in_dim3A_311, %broadcast_in_dim3A_319 in 0 : vector<256x1xf32>, vector<256x1xf32> -> vector<512x1xf32>
    %add3A_321 = arith.addf %broadcast_in_dim3A, %broadcast_in_dim3A_66 : vector<512x1xf32>
    %mul3A_322 = arith.constant 2.000000e+00 : f32
    %mul3A_323 = vector.broadcast %mul3A_322 : f32 to vector<512x1xf32>
    %mul3A_324 = arith.mulf %mul3A_323, %concatenate3A_320 : vector<512x1xf32>
    %sub3A_325 = arith.subf %add3A_321, %mul3A_324 : vector<512x1xf32>
    %max3A_326 = arith.constant 0.000000e+00 : f32
    %max3A_327 = vector.broadcast %max3A_326 : f32 to vector<512x1xf32>
    %max3A_328 = arith.maximumf %sub3A_325, %max3A_327 : vector<512x1xf32>
    %add3A_329 = arith.constant 9.99999993E-9 : f32
    %add3A_330 = vector.broadcast %add3A_329 : f32 to vector<512x1xf32>
    %add3A_331 = arith.addf %max3A_328, %add3A_330 : vector<512x1xf32>
    %sqrt3A_332 = math.sqrt %add3A_331 : vector<512x1xf32>
    %slice3A_333 = vector.extract_strided_slice %get3A_6 {offsets = [0, 0], sizes = [256, 3], strides = [1, 1]} : vector<512x3xf32> to vector<256x3xf32>
    %slice3A_334 = vector.extract_strided_slice %get3A_41 {offsets = [0, 0], sizes = [256, 3], strides = [1, 1]} : vector<512x3xf32> to vector<256x3xf32>
    %dot_general3A_335 = arith.constant dense<0.000000e+00> : vector<256x256xf32>
    %dot_general3A_336 = tpu.matmul %slice3A_333, %slice3A_334, %dot_general3A_335 {dimension_numbers = #tpu.dot_dimension_numbers<[1], [1], [0], [0], [0, 0, 1, 0], [], []>, transpose_lhs_hint = false} : vector<256x3xf32>, vector<256x3xf32>, vector<256x256xf32> -> vector<256x256xf32>
    %mul3A_337 = arith.mulf %dot_general3A_336, %convert_element_type3A_72 : vector<256x256xf32>
    %reduce_sum3A_338 = arith.constant dense<0.000000e+00> : vector<256xf32>
    %reduce_sum3A_339 = vector.multi_reduction <add>, %mul3A_337, %reduce_sum3A_338 [1] : vector<256x256xf32> to vector<256xf32>
    %broadcast_in_dim3A_340 = vector.shape_cast %reduce_sum3A_339 : vector<256xf32> to vector<256x1xf32>
    %slice3A_341 = vector.extract_strided_slice %get3A_6 {offsets = [256, 0], sizes = [256, 3], strides = [1, 1]} : vector<512x3xf32> to vector<256x3xf32>
    %slice3A_342 = vector.extract_strided_slice %get3A_41 {offsets = [256, 0], sizes = [256, 3], strides = [1, 1]} : vector<512x3xf32> to vector<256x3xf32>
    %dot_general3A_343 = arith.constant dense<0.000000e+00> : vector<256x256xf32>
    %dot_general3A_344 = tpu.matmul %slice3A_341, %slice3A_342, %dot_general3A_343 {dimension_numbers = #tpu.dot_dimension_numbers<[1], [1], [0], [0], [0, 0, 1, 0], [], []>, transpose_lhs_hint = false} : vector<256x3xf32>, vector<256x3xf32>, vector<256x256xf32> -> vector<256x256xf32>
    %mul3A_345 = arith.mulf %dot_general3A_344, %convert_element_type3A_72 : vector<256x256xf32>
    %reduce_sum3A_346 = arith.constant dense<0.000000e+00> : vector<256xf32>
    %reduce_sum3A_347 = vector.multi_reduction <add>, %mul3A_345, %reduce_sum3A_346 [1] : vector<256x256xf32> to vector<256xf32>
    %broadcast_in_dim3A_348 = vector.shape_cast %reduce_sum3A_347 : vector<256xf32> to vector<256x1xf32>
    %concatenate3A_349 = tpu.concatenate %broadcast_in_dim3A_340, %broadcast_in_dim3A_348 in 0 : vector<256x1xf32>, vector<256x1xf32> -> vector<512x1xf32>
    %add3A_350 = arith.addf %broadcast_in_dim3A, %broadcast_in_dim3A_70 : vector<512x1xf32>
    %mul3A_351 = arith.constant 2.000000e+00 : f32
    %mul3A_352 = vector.broadcast %mul3A_351 : f32 to vector<512x1xf32>
    %mul3A_353 = arith.mulf %mul3A_352, %concatenate3A_349 : vector<512x1xf32>
    %sub3A_354 = arith.subf %add3A_350, %mul3A_353 : vector<512x1xf32>
    %max3A_355 = arith.constant 0.000000e+00 : f32
    %max3A_356 = vector.broadcast %max3A_355 : f32 to vector<512x1xf32>
    %max3A_357 = arith.maximumf %sub3A_354, %max3A_356 : vector<512x1xf32>
    %add3A_358 = arith.constant 9.99999993E-9 : f32
    %add3A_359 = vector.broadcast %add3A_358 : f32 to vector<512x1xf32>
    %add3A_360 = arith.addf %max3A_357, %add3A_359 : vector<512x1xf32>
    %sqrt3A_361 = math.sqrt %add3A_360 : vector<512x1xf32>
    %slice3A_362 = vector.extract_strided_slice %get3A_11 {offsets = [0, 0], sizes = [256, 3], strides = [1, 1]} : vector<512x3xf32> to vector<256x3xf32>
    %slice3A_363 = vector.extract_strided_slice %get3A_26 {offsets = [0, 0], sizes = [256, 3], strides = [1, 1]} : vector<512x3xf32> to vector<256x3xf32>
    %dot_general3A_364 = arith.constant dense<0.000000e+00> : vector<256x256xf32>
    %dot_general3A_365 = tpu.matmul %slice3A_362, %slice3A_363, %dot_general3A_364 {dimension_numbers = #tpu.dot_dimension_numbers<[1], [1], [0], [0], [0, 0, 1, 0], [], []>, transpose_lhs_hint = false} : vector<256x3xf32>, vector<256x3xf32>, vector<256x256xf32> -> vector<256x256xf32>
    %mul3A_366 = arith.mulf %dot_general3A_365, %convert_element_type3A_72 : vector<256x256xf32>
    %reduce_sum3A_367 = arith.constant dense<0.000000e+00> : vector<256xf32>
    %reduce_sum3A_368 = vector.multi_reduction <add>, %mul3A_366, %reduce_sum3A_367 [1] : vector<256x256xf32> to vector<256xf32>
    %broadcast_in_dim3A_369 = vector.shape_cast %reduce_sum3A_368 : vector<256xf32> to vector<256x1xf32>
    %slice3A_370 = vector.extract_strided_slice %get3A_11 {offsets = [256, 0], sizes = [256, 3], strides = [1, 1]} : vector<512x3xf32> to vector<256x3xf32>
    %slice3A_371 = vector.extract_strided_slice %get3A_26 {offsets = [256, 0], sizes = [256, 3], strides = [1, 1]} : vector<512x3xf32> to vector<256x3xf32>
    %dot_general3A_372 = arith.constant dense<0.000000e+00> : vector<256x256xf32>
    %dot_general3A_373 = tpu.matmul %slice3A_370, %slice3A_371, %dot_general3A_372 {dimension_numbers = #tpu.dot_dimension_numbers<[1], [1], [0], [0], [0, 0, 1, 0], [], []>, transpose_lhs_hint = false} : vector<256x3xf32>, vector<256x3xf32>, vector<256x256xf32> -> vector<256x256xf32>
    %mul3A_374 = arith.mulf %dot_general3A_373, %convert_element_type3A_72 : vector<256x256xf32>
    %reduce_sum3A_375 = arith.constant dense<0.000000e+00> : vector<256xf32>
    %reduce_sum3A_376 = vector.multi_reduction <add>, %mul3A_374, %reduce_sum3A_375 [1] : vector<256x256xf32> to vector<256xf32>
    %broadcast_in_dim3A_377 = vector.shape_cast %reduce_sum3A_376 : vector<256xf32> to vector<256x1xf32>
    %concatenate3A_378 = tpu.concatenate %broadcast_in_dim3A_369, %broadcast_in_dim3A_377 in 0 : vector<256x1xf32>, vector<256x1xf32> -> vector<512x1xf32>
    %add3A_379 = arith.addf %broadcast_in_dim3A_46, %broadcast_in_dim3A_58 : vector<512x1xf32>
    %mul3A_380 = arith.constant 2.000000e+00 : f32
    %mul3A_381 = vector.broadcast %mul3A_380 : f32 to vector<512x1xf32>
    %mul3A_382 = arith.mulf %mul3A_381, %concatenate3A_378 : vector<512x1xf32>
    %sub3A_383 = arith.subf %add3A_379, %mul3A_382 : vector<512x1xf32>
    %max3A_384 = arith.constant 0.000000e+00 : f32
    %max3A_385 = vector.broadcast %max3A_384 : f32 to vector<512x1xf32>
    %max3A_386 = arith.maximumf %sub3A_383, %max3A_385 : vector<512x1xf32>
    %add3A_387 = arith.constant 9.99999993E-9 : f32
    %add3A_388 = vector.broadcast %add3A_387 : f32 to vector<512x1xf32>
    %add3A_389 = arith.addf %max3A_386, %add3A_388 : vector<512x1xf32>
    %sqrt3A_390 = math.sqrt %add3A_389 : vector<512x1xf32>
    %slice3A_391 = vector.extract_strided_slice %get3A_11 {offsets = [0, 0], sizes = [256, 3], strides = [1, 1]} : vector<512x3xf32> to vector<256x3xf32>
    %slice3A_392 = vector.extract_strided_slice %get3A_31 {offsets = [0, 0], sizes = [256, 3], strides = [1, 1]} : vector<512x3xf32> to vector<256x3xf32>
    %dot_general3A_393 = arith.constant dense<0.000000e+00> : vector<256x256xf32>
    %dot_general3A_394 = tpu.matmul %slice3A_391, %slice3A_392, %dot_general3A_393 {dimension_numbers = #tpu.dot_dimension_numbers<[1], [1], [0], [0], [0, 0, 1, 0], [], []>, transpose_lhs_hint = false} : vector<256x3xf32>, vector<256x3xf32>, vector<256x256xf32> -> vector<256x256xf32>
    %mul3A_395 = arith.mulf %dot_general3A_394, %convert_element_type3A_72 : vector<256x256xf32>
    %reduce_sum3A_396 = arith.constant dense<0.000000e+00> : vector<256xf32>
    %reduce_sum3A_397 = vector.multi_reduction <add>, %mul3A_395, %reduce_sum3A_396 [1] : vector<256x256xf32> to vector<256xf32>
    %broadcast_in_dim3A_398 = vector.shape_cast %reduce_sum3A_397 : vector<256xf32> to vector<256x1xf32>
    %slice3A_399 = vector.extract_strided_slice %get3A_11 {offsets = [256, 0], sizes = [256, 3], strides = [1, 1]} : vector<512x3xf32> to vector<256x3xf32>
    %slice3A_400 = vector.extract_strided_slice %get3A_31 {offsets = [256, 0], sizes = [256, 3], strides = [1, 1]} : vector<512x3xf32> to vector<256x3xf32>
    %dot_general3A_401 = arith.constant dense<0.000000e+00> : vector<256x256xf32>
    %dot_general3A_402 = tpu.matmul %slice3A_399, %slice3A_400, %dot_general3A_401 {dimension_numbers = #tpu.dot_dimension_numbers<[1], [1], [0], [0], [0, 0, 1, 0], [], []>, transpose_lhs_hint = false} : vector<256x3xf32>, vector<256x3xf32>, vector<256x256xf32> -> vector<256x256xf32>
    %mul3A_403 = arith.mulf %dot_general3A_402, %convert_element_type3A_72 : vector<256x256xf32>
    %reduce_sum3A_404 = arith.constant dense<0.000000e+00> : vector<256xf32>
    %reduce_sum3A_405 = vector.multi_reduction <add>, %mul3A_403, %reduce_sum3A_404 [1] : vector<256x256xf32> to vector<256xf32>
    %broadcast_in_dim3A_406 = vector.shape_cast %reduce_sum3A_405 : vector<256xf32> to vector<256x1xf32>
    %concatenate3A_407 = tpu.concatenate %broadcast_in_dim3A_398, %broadcast_in_dim3A_406 in 0 : vector<256x1xf32>, vector<256x1xf32> -> vector<512x1xf32>
    %add3A_408 = arith.addf %broadcast_in_dim3A_46, %broadcast_in_dim3A_62 : vector<512x1xf32>
    %mul3A_409 = arith.constant 2.000000e+00 : f32
    %mul3A_410 = vector.broadcast %mul3A_409 : f32 to vector<512x1xf32>
    %mul3A_411 = arith.mulf %mul3A_410, %concatenate3A_407 : vector<512x1xf32>
    %sub3A_412 = arith.subf %add3A_408, %mul3A_411 : vector<512x1xf32>
    %max3A_413 = arith.constant 0.000000e+00 : f32
    %max3A_414 = vector.broadcast %max3A_413 : f32 to vector<512x1xf32>
    %max3A_415 = arith.maximumf %sub3A_412, %max3A_414 : vector<512x1xf32>
    %add3A_416 = arith.constant 9.99999993E-9 : f32
    %add3A_417 = vector.broadcast %add3A_416 : f32 to vector<512x1xf32>
    %add3A_418 = arith.addf %max3A_415, %add3A_417 : vector<512x1xf32>
    %sqrt3A_419 = math.sqrt %add3A_418 : vector<512x1xf32>
    %slice3A_420 = vector.extract_strided_slice %get3A_11 {offsets = [0, 0], sizes = [256, 3], strides = [1, 1]} : vector<512x3xf32> to vector<256x3xf32>
    %slice3A_421 = vector.extract_strided_slice %get3A_36 {offsets = [0, 0], sizes = [256, 3], strides = [1, 1]} : vector<512x3xf32> to vector<256x3xf32>
    %dot_general3A_422 = arith.constant dense<0.000000e+00> : vector<256x256xf32>
    %dot_general3A_423 = tpu.matmul %slice3A_420, %slice3A_421, %dot_general3A_422 {dimension_numbers = #tpu.dot_dimension_numbers<[1], [1], [0], [0], [0, 0, 1, 0], [], []>, transpose_lhs_hint = false} : vector<256x3xf32>, vector<256x3xf32>, vector<256x256xf32> -> vector<256x256xf32>
    %mul3A_424 = arith.mulf %dot_general3A_423, %convert_element_type3A_72 : vector<256x256xf32>
    %reduce_sum3A_425 = arith.constant dense<0.000000e+00> : vector<256xf32>
    %reduce_sum3A_426 = vector.multi_reduction <add>, %mul3A_424, %reduce_sum3A_425 [1] : vector<256x256xf32> to vector<256xf32>
    %broadcast_in_dim3A_427 = vector.shape_cast %reduce_sum3A_426 : vector<256xf32> to vector<256x1xf32>
    %slice3A_428 = vector.extract_strided_slice %get3A_11 {offsets = [256, 0], sizes = [256, 3], strides = [1, 1]} : vector<512x3xf32> to vector<256x3xf32>
    %slice3A_429 = vector.extract_strided_slice %get3A_36 {offsets = [256, 0], sizes = [256, 3], strides = [1, 1]} : vector<512x3xf32> to vector<256x3xf32>
    %dot_general3A_430 = arith.constant dense<0.000000e+00> : vector<256x256xf32>
    %dot_general3A_431 = tpu.matmul %slice3A_428, %slice3A_429, %dot_general3A_430 {dimension_numbers = #tpu.dot_dimension_numbers<[1], [1], [0], [0], [0, 0, 1, 0], [], []>, transpose_lhs_hint = false} : vector<256x3xf32>, vector<256x3xf32>, vector<256x256xf32> -> vector<256x256xf32>
    %mul3A_432 = arith.mulf %dot_general3A_431, %convert_element_type3A_72 : vector<256x256xf32>
    %reduce_sum3A_433 = arith.constant dense<0.000000e+00> : vector<256xf32>
    %reduce_sum3A_434 = vector.multi_reduction <add>, %mul3A_432, %reduce_sum3A_433 [1] : vector<256x256xf32> to vector<256xf32>
    %broadcast_in_dim3A_435 = vector.shape_cast %reduce_sum3A_434 : vector<256xf32> to vector<256x1xf32>
    %concatenate3A_436 = tpu.concatenate %broadcast_in_dim3A_427, %broadcast_in_dim3A_435 in 0 : vector<256x1xf32>, vector<256x1xf32> -> vector<512x1xf32>
    %add3A_437 = arith.addf %broadcast_in_dim3A_46, %broadcast_in_dim3A_66 : vector<512x1xf32>
    %mul3A_438 = arith.constant 2.000000e+00 : f32
    %mul3A_439 = vector.broadcast %mul3A_438 : f32 to vector<512x1xf32>
    %mul3A_440 = arith.mulf %mul3A_439, %concatenate3A_436 : vector<512x1xf32>
    %sub3A_441 = arith.subf %add3A_437, %mul3A_440 : vector<512x1xf32>
    %max3A_442 = arith.constant 0.000000e+00 : f32
    %max3A_443 = vector.broadcast %max3A_442 : f32 to vector<512x1xf32>
    %max3A_444 = arith.maximumf %sub3A_441, %max3A_443 : vector<512x1xf32>
    %add3A_445 = arith.constant 9.99999993E-9 : f32
    %add3A_446 = vector.broadcast %add3A_445 : f32 to vector<512x1xf32>
    %add3A_447 = arith.addf %max3A_444, %add3A_446 : vector<512x1xf32>
    %sqrt3A_448 = math.sqrt %add3A_447 : vector<512x1xf32>
    %slice3A_449 = vector.extract_strided_slice %get3A_11 {offsets = [0, 0], sizes = [256, 3], strides = [1, 1]} : vector<512x3xf32> to vector<256x3xf32>
    %slice3A_450 = vector.extract_strided_slice %get3A_41 {offsets = [0, 0], sizes = [256, 3], strides = [1, 1]} : vector<512x3xf32> to vector<256x3xf32>
    %dot_general3A_451 = arith.constant dense<0.000000e+00> : vector<256x256xf32>
    %dot_general3A_452 = tpu.matmul %slice3A_449, %slice3A_450, %dot_general3A_451 {dimension_numbers = #tpu.dot_dimension_numbers<[1], [1], [0], [0], [0, 0, 1, 0], [], []>, transpose_lhs_hint = false} : vector<256x3xf32>, vector<256x3xf32>, vector<256x256xf32> -> vector<256x256xf32>
    %mul3A_453 = arith.mulf %dot_general3A_452, %convert_element_type3A_72 : vector<256x256xf32>
    %reduce_sum3A_454 = arith.constant dense<0.000000e+00> : vector<256xf32>
    %reduce_sum3A_455 = vector.multi_reduction <add>, %mul3A_453, %reduce_sum3A_454 [1] : vector<256x256xf32> to vector<256xf32>
    %broadcast_in_dim3A_456 = vector.shape_cast %reduce_sum3A_455 : vector<256xf32> to vector<256x1xf32>
    %slice3A_457 = vector.extract_strided_slice %get3A_11 {offsets = [256, 0], sizes = [256, 3], strides = [1, 1]} : vector<512x3xf32> to vector<256x3xf32>
    %slice3A_458 = vector.extract_strided_slice %get3A_41 {offsets = [256, 0], sizes = [256, 3], strides = [1, 1]} : vector<512x3xf32> to vector<256x3xf32>
    %dot_general3A_459 = arith.constant dense<0.000000e+00> : vector<256x256xf32>
    %dot_general3A_460 = tpu.matmul %slice3A_457, %slice3A_458, %dot_general3A_459 {dimension_numbers = #tpu.dot_dimension_numbers<[1], [1], [0], [0], [0, 0, 1, 0], [], []>, transpose_lhs_hint = false} : vector<256x3xf32>, vector<256x3xf32>, vector<256x256xf32> -> vector<256x256xf32>
    %mul3A_461 = arith.mulf %dot_general3A_460, %convert_element_type3A_72 : vector<256x256xf32>
    %reduce_sum3A_462 = arith.constant dense<0.000000e+00> : vector<256xf32>
    %reduce_sum3A_463 = vector.multi_reduction <add>, %mul3A_461, %reduce_sum3A_462 [1] : vector<256x256xf32> to vector<256xf32>
    %broadcast_in_dim3A_464 = vector.shape_cast %reduce_sum3A_463 : vector<256xf32> to vector<256x1xf32>
    %concatenate3A_465 = tpu.concatenate %broadcast_in_dim3A_456, %broadcast_in_dim3A_464 in 0 : vector<256x1xf32>, vector<256x1xf32> -> vector<512x1xf32>
    %add3A_466 = arith.addf %broadcast_in_dim3A_46, %broadcast_in_dim3A_70 : vector<512x1xf32>
    %mul3A_467 = arith.constant 2.000000e+00 : f32
    %mul3A_468 = vector.broadcast %mul3A_467 : f32 to vector<512x1xf32>
    %mul3A_469 = arith.mulf %mul3A_468, %concatenate3A_465 : vector<512x1xf32>
    %sub3A_470 = arith.subf %add3A_466, %mul3A_469 : vector<512x1xf32>
    %max3A_471 = arith.constant 0.000000e+00 : f32
    %max3A_472 = vector.broadcast %max3A_471 : f32 to vector<512x1xf32>
    %max3A_473 = arith.maximumf %sub3A_470, %max3A_472 : vector<512x1xf32>
    %add3A_474 = arith.constant 9.99999993E-9 : f32
    %add3A_475 = vector.broadcast %add3A_474 : f32 to vector<512x1xf32>
    %add3A_476 = arith.addf %max3A_473, %add3A_475 : vector<512x1xf32>
    %sqrt3A_477 = math.sqrt %add3A_476 : vector<512x1xf32>
    %slice3A_478 = vector.extract_strided_slice %get3A_16 {offsets = [0, 0], sizes = [256, 3], strides = [1, 1]} : vector<512x3xf32> to vector<256x3xf32>
    %slice3A_479 = vector.extract_strided_slice %get3A_26 {offsets = [0, 0], sizes = [256, 3], strides = [1, 1]} : vector<512x3xf32> to vector<256x3xf32>
    %dot_general3A_480 = arith.constant dense<0.000000e+00> : vector<256x256xf32>
    %dot_general3A_481 = tpu.matmul %slice3A_478, %slice3A_479, %dot_general3A_480 {dimension_numbers = #tpu.dot_dimension_numbers<[1], [1], [0], [0], [0, 0, 1, 0], [], []>, transpose_lhs_hint = false} : vector<256x3xf32>, vector<256x3xf32>, vector<256x256xf32> -> vector<256x256xf32>
    %mul3A_482 = arith.mulf %dot_general3A_481, %convert_element_type3A_72 : vector<256x256xf32>
    %reduce_sum3A_483 = arith.constant dense<0.000000e+00> : vector<256xf32>
    %reduce_sum3A_484 = vector.multi_reduction <add>, %mul3A_482, %reduce_sum3A_483 [1] : vector<256x256xf32> to vector<256xf32>
    %broadcast_in_dim3A_485 = vector.shape_cast %reduce_sum3A_484 : vector<256xf32> to vector<256x1xf32>
    %slice3A_486 = vector.extract_strided_slice %get3A_16 {offsets = [256, 0], sizes = [256, 3], strides = [1, 1]} : vector<512x3xf32> to vector<256x3xf32>
    %slice3A_487 = vector.extract_strided_slice %get3A_26 {offsets = [256, 0], sizes = [256, 3], strides = [1, 1]} : vector<512x3xf32> to vector<256x3xf32>
    %dot_general3A_488 = arith.constant dense<0.000000e+00> : vector<256x256xf32>
    %dot_general3A_489 = tpu.matmul %slice3A_486, %slice3A_487, %dot_general3A_488 {dimension_numbers = #tpu.dot_dimension_numbers<[1], [1], [0], [0], [0, 0, 1, 0], [], []>, transpose_lhs_hint = false} : vector<256x3xf32>, vector<256x3xf32>, vector<256x256xf32> -> vector<256x256xf32>
    %mul3A_490 = arith.mulf %dot_general3A_489, %convert_element_type3A_72 : vector<256x256xf32>
    %reduce_sum3A_491 = arith.constant dense<0.000000e+00> : vector<256xf32>
    %reduce_sum3A_492 = vector.multi_reduction <add>, %mul3A_490, %reduce_sum3A_491 [1] : vector<256x256xf32> to vector<256xf32>
    %broadcast_in_dim3A_493 = vector.shape_cast %reduce_sum3A_492 : vector<256xf32> to vector<256x1xf32>
    %concatenate3A_494 = tpu.concatenate %broadcast_in_dim3A_485, %broadcast_in_dim3A_493 in 0 : vector<256x1xf32>, vector<256x1xf32> -> vector<512x1xf32>
    %add3A_495 = arith.addf %broadcast_in_dim3A_50, %broadcast_in_dim3A_58 : vector<512x1xf32>
    %mul3A_496 = arith.constant 2.000000e+00 : f32
    %mul3A_497 = vector.broadcast %mul3A_496 : f32 to vector<512x1xf32>
    %mul3A_498 = arith.mulf %mul3A_497, %concatenate3A_494 : vector<512x1xf32>
    %sub3A_499 = arith.subf %add3A_495, %mul3A_498 : vector<512x1xf32>
    %max3A_500 = arith.constant 0.000000e+00 : f32
    %max3A_501 = vector.broadcast %max3A_500 : f32 to vector<512x1xf32>
    %max3A_502 = arith.maximumf %sub3A_499, %max3A_501 : vector<512x1xf32>
    %add3A_503 = arith.constant 9.99999993E-9 : f32
    %add3A_504 = vector.broadcast %add3A_503 : f32 to vector<512x1xf32>
    %add3A_505 = arith.addf %max3A_502, %add3A_504 : vector<512x1xf32>
    %sqrt3A_506 = math.sqrt %add3A_505 : vector<512x1xf32>
    %slice3A_507 = vector.extract_strided_slice %get3A_16 {offsets = [0, 0], sizes = [256, 3], strides = [1, 1]} : vector<512x3xf32> to vector<256x3xf32>
    %slice3A_508 = vector.extract_strided_slice %get3A_31 {offsets = [0, 0], sizes = [256, 3], strides = [1, 1]} : vector<512x3xf32> to vector<256x3xf32>
    %dot_general3A_509 = arith.constant dense<0.000000e+00> : vector<256x256xf32>
    %dot_general3A_510 = tpu.matmul %slice3A_507, %slice3A_508, %dot_general3A_509 {dimension_numbers = #tpu.dot_dimension_numbers<[1], [1], [0], [0], [0, 0, 1, 0], [], []>, transpose_lhs_hint = false} : vector<256x3xf32>, vector<256x3xf32>, vector<256x256xf32> -> vector<256x256xf32>
    %mul3A_511 = arith.mulf %dot_general3A_510, %convert_element_type3A_72 : vector<256x256xf32>
    %reduce_sum3A_512 = arith.constant dense<0.000000e+00> : vector<256xf32>
    %reduce_sum3A_513 = vector.multi_reduction <add>, %mul3A_511, %reduce_sum3A_512 [1] : vector<256x256xf32> to vector<256xf32>
    %broadcast_in_dim3A_514 = vector.shape_cast %reduce_sum3A_513 : vector<256xf32> to vector<256x1xf32>
    %slice3A_515 = vector.extract_strided_slice %get3A_16 {offsets = [256, 0], sizes = [256, 3], strides = [1, 1]} : vector<512x3xf32> to vector<256x3xf32>
    %slice3A_516 = vector.extract_strided_slice %get3A_31 {offsets = [256, 0], sizes = [256, 3], strides = [1, 1]} : vector<512x3xf32> to vector<256x3xf32>
    %dot_general3A_517 = arith.constant dense<0.000000e+00> : vector<256x256xf32>
    %dot_general3A_518 = tpu.matmul %slice3A_515, %slice3A_516, %dot_general3A_517 {dimension_numbers = #tpu.dot_dimension_numbers<[1], [1], [0], [0], [0, 0, 1, 0], [], []>, transpose_lhs_hint = false} : vector<256x3xf32>, vector<256x3xf32>, vector<256x256xf32> -> vector<256x256xf32>
    %mul3A_519 = arith.mulf %dot_general3A_518, %convert_element_type3A_72 : vector<256x256xf32>
    %reduce_sum3A_520 = arith.constant dense<0.000000e+00> : vector<256xf32>
    %reduce_sum3A_521 = vector.multi_reduction <add>, %mul3A_519, %reduce_sum3A_520 [1] : vector<256x256xf32> to vector<256xf32>
    %broadcast_in_dim3A_522 = vector.shape_cast %reduce_sum3A_521 : vector<256xf32> to vector<256x1xf32>
    %concatenate3A_523 = tpu.concatenate %broadcast_in_dim3A_514, %broadcast_in_dim3A_522 in 0 : vector<256x1xf32>, vector<256x1xf32> -> vector<512x1xf32>
    %add3A_524 = arith.addf %broadcast_in_dim3A_50, %broadcast_in_dim3A_62 : vector<512x1xf32>
    %mul3A_525 = arith.constant 2.000000e+00 : f32
    %mul3A_526 = vector.broadcast %mul3A_525 : f32 to vector<512x1xf32>
    %mul3A_527 = arith.mulf %mul3A_526, %concatenate3A_523 : vector<512x1xf32>
    %sub3A_528 = arith.subf %add3A_524, %mul3A_527 : vector<512x1xf32>
    %max3A_529 = arith.constant 0.000000e+00 : f32
    %max3A_530 = vector.broadcast %max3A_529 : f32 to vector<512x1xf32>
    %max3A_531 = arith.maximumf %sub3A_528, %max3A_530 : vector<512x1xf32>
    %add3A_532 = arith.constant 9.99999993E-9 : f32
    %add3A_533 = vector.broadcast %add3A_532 : f32 to vector<512x1xf32>
    %add3A_534 = arith.addf %max3A_531, %add3A_533 : vector<512x1xf32>
    %sqrt3A_535 = math.sqrt %add3A_534 : vector<512x1xf32>
    %slice3A_536 = vector.extract_strided_slice %get3A_16 {offsets = [0, 0], sizes = [256, 3], strides = [1, 1]} : vector<512x3xf32> to vector<256x3xf32>
    %slice3A_537 = vector.extract_strided_slice %get3A_36 {offsets = [0, 0], sizes = [256, 3], strides = [1, 1]} : vector<512x3xf32> to vector<256x3xf32>
    %dot_general3A_538 = arith.constant dense<0.000000e+00> : vector<256x256xf32>
    %dot_general3A_539 = tpu.matmul %slice3A_536, %slice3A_537, %dot_general3A_538 {dimension_numbers = #tpu.dot_dimension_numbers<[1], [1], [0], [0], [0, 0, 1, 0], [], []>, transpose_lhs_hint = false} : vector<256x3xf32>, vector<256x3xf32>, vector<256x256xf32> -> vector<256x256xf32>
    %mul3A_540 = arith.mulf %dot_general3A_539, %convert_element_type3A_72 : vector<256x256xf32>
    %reduce_sum3A_541 = arith.constant dense<0.000000e+00> : vector<256xf32>
    %reduce_sum3A_542 = vector.multi_reduction <add>, %mul3A_540, %reduce_sum3A_541 [1] : vector<256x256xf32> to vector<256xf32>
    %broadcast_in_dim3A_543 = vector.shape_cast %reduce_sum3A_542 : vector<256xf32> to vector<256x1xf32>
    %slice3A_544 = vector.extract_strided_slice %get3A_16 {offsets = [256, 0], sizes = [256, 3], strides = [1, 1]} : vector<512x3xf32> to vector<256x3xf32>
    %slice3A_545 = vector.extract_strided_slice %get3A_36 {offsets = [256, 0], sizes = [256, 3], strides = [1, 1]} : vector<512x3xf32> to vector<256x3xf32>
    %dot_general3A_546 = arith.constant dense<0.000000e+00> : vector<256x256xf32>
    %dot_general3A_547 = tpu.matmul %slice3A_544, %slice3A_545, %dot_general3A_546 {dimension_numbers = #tpu.dot_dimension_numbers<[1], [1], [0], [0], [0, 0, 1, 0], [], []>, transpose_lhs_hint = false} : vector<256x3xf32>, vector<256x3xf32>, vector<256x256xf32> -> vector<256x256xf32>
    %mul3A_548 = arith.mulf %dot_general3A_547, %convert_element_type3A_72 : vector<256x256xf32>
    %reduce_sum3A_549 = arith.constant dense<0.000000e+00> : vector<256xf32>
    %reduce_sum3A_550 = vector.multi_reduction <add>, %mul3A_548, %reduce_sum3A_549 [1] : vector<256x256xf32> to vector<256xf32>
    %broadcast_in_dim3A_551 = vector.shape_cast %reduce_sum3A_550 : vector<256xf32> to vector<256x1xf32>
    %concatenate3A_552 = tpu.concatenate %broadcast_in_dim3A_543, %broadcast_in_dim3A_551 in 0 : vector<256x1xf32>, vector<256x1xf32> -> vector<512x1xf32>
    %add3A_553 = arith.addf %broadcast_in_dim3A_50, %broadcast_in_dim3A_66 : vector<512x1xf32>
    %mul3A_554 = arith.constant 2.000000e+00 : f32
    %mul3A_555 = vector.broadcast %mul3A_554 : f32 to vector<512x1xf32>
    %mul3A_556 = arith.mulf %mul3A_555, %concatenate3A_552 : vector<512x1xf32>
    %sub3A_557 = arith.subf %add3A_553, %mul3A_556 : vector<512x1xf32>
    %max3A_558 = arith.constant 0.000000e+00 : f32
    %max3A_559 = vector.broadcast %max3A_558 : f32 to vector<512x1xf32>
    %max3A_560 = arith.maximumf %sub3A_557, %max3A_559 : vector<512x1xf32>
    %add3A_561 = arith.constant 9.99999993E-9 : f32
    %add3A_562 = vector.broadcast %add3A_561 : f32 to vector<512x1xf32>
    %add3A_563 = arith.addf %max3A_560, %add3A_562 : vector<512x1xf32>
    %sqrt3A_564 = math.sqrt %add3A_563 : vector<512x1xf32>
    %slice3A_565 = vector.extract_strided_slice %get3A_16 {offsets = [0, 0], sizes = [256, 3], strides = [1, 1]} : vector<512x3xf32> to vector<256x3xf32>
    %slice3A_566 = vector.extract_strided_slice %get3A_41 {offsets = [0, 0], sizes = [256, 3], strides = [1, 1]} : vector<512x3xf32> to vector<256x3xf32>
    %dot_general3A_567 = arith.constant dense<0.000000e+00> : vector<256x256xf32>
    %dot_general3A_568 = tpu.matmul %slice3A_565, %slice3A_566, %dot_general3A_567 {dimension_numbers = #tpu.dot_dimension_numbers<[1], [1], [0], [0], [0, 0, 1, 0], [], []>, transpose_lhs_hint = false} : vector<256x3xf32>, vector<256x3xf32>, vector<256x256xf32> -> vector<256x256xf32>
    %mul3A_569 = arith.mulf %dot_general3A_568, %convert_element_type3A_72 : vector<256x256xf32>
    %reduce_sum3A_570 = arith.constant dense<0.000000e+00> : vector<256xf32>
    %reduce_sum3A_571 = vector.multi_reduction <add>, %mul3A_569, %reduce_sum3A_570 [1] : vector<256x256xf32> to vector<256xf32>
    %broadcast_in_dim3A_572 = vector.shape_cast %reduce_sum3A_571 : vector<256xf32> to vector<256x1xf32>
    %slice3A_573 = vector.extract_strided_slice %get3A_16 {offsets = [256, 0], sizes = [256, 3], strides = [1, 1]} : vector<512x3xf32> to vector<256x3xf32>
    %slice3A_574 = vector.extract_strided_slice %get3A_41 {offsets = [256, 0], sizes = [256, 3], strides = [1, 1]} : vector<512x3xf32> to vector<256x3xf32>
    %dot_general3A_575 = arith.constant dense<0.000000e+00> : vector<256x256xf32>
    %dot_general3A_576 = tpu.matmul %slice3A_573, %slice3A_574, %dot_general3A_575 {dimension_numbers = #tpu.dot_dimension_numbers<[1], [1], [0], [0], [0, 0, 1, 0], [], []>, transpose_lhs_hint = false} : vector<256x3xf32>, vector<256x3xf32>, vector<256x256xf32> -> vector<256x256xf32>
    %mul3A_577 = arith.mulf %dot_general3A_576, %convert_element_type3A_72 : vector<256x256xf32>
    %reduce_sum3A_578 = arith.constant dense<0.000000e+00> : vector<256xf32>
    %reduce_sum3A_579 = vector.multi_reduction <add>, %mul3A_577, %reduce_sum3A_578 [1] : vector<256x256xf32> to vector<256xf32>
    %broadcast_in_dim3A_580 = vector.shape_cast %reduce_sum3A_579 : vector<256xf32> to vector<256x1xf32>
    %concatenate3A_581 = tpu.concatenate %broadcast_in_dim3A_572, %broadcast_in_dim3A_580 in 0 : vector<256x1xf32>, vector<256x1xf32> -> vector<512x1xf32>
    %add3A_582 = arith.addf %broadcast_in_dim3A_50, %broadcast_in_dim3A_70 : vector<512x1xf32>
    %mul3A_583 = arith.constant 2.000000e+00 : f32
    %mul3A_584 = vector.broadcast %mul3A_583 : f32 to vector<512x1xf32>
    %mul3A_585 = arith.mulf %mul3A_584, %concatenate3A_581 : vector<512x1xf32>
    %sub3A_586 = arith.subf %add3A_582, %mul3A_585 : vector<512x1xf32>
    %max3A_587 = arith.constant 0.000000e+00 : f32
    %max3A_588 = vector.broadcast %max3A_587 : f32 to vector<512x1xf32>
    %max3A_589 = arith.maximumf %sub3A_586, %max3A_588 : vector<512x1xf32>
    %add3A_590 = arith.constant 9.99999993E-9 : f32
    %add3A_591 = vector.broadcast %add3A_590 : f32 to vector<512x1xf32>
    %add3A_592 = arith.addf %max3A_589, %add3A_591 : vector<512x1xf32>
    %sqrt3A_593 = math.sqrt %add3A_592 : vector<512x1xf32>
    %slice3A_594 = vector.extract_strided_slice %get3A_21 {offsets = [0, 0], sizes = [256, 3], strides = [1, 1]} : vector<512x3xf32> to vector<256x3xf32>
    %slice3A_595 = vector.extract_strided_slice %get3A_26 {offsets = [0, 0], sizes = [256, 3], strides = [1, 1]} : vector<512x3xf32> to vector<256x3xf32>
    %dot_general3A_596 = arith.constant dense<0.000000e+00> : vector<256x256xf32>
    %dot_general3A_597 = tpu.matmul %slice3A_594, %slice3A_595, %dot_general3A_596 {dimension_numbers = #tpu.dot_dimension_numbers<[1], [1], [0], [0], [0, 0, 1, 0], [], []>, transpose_lhs_hint = false} : vector<256x3xf32>, vector<256x3xf32>, vector<256x256xf32> -> vector<256x256xf32>
    %mul3A_598 = arith.mulf %dot_general3A_597, %convert_element_type3A_72 : vector<256x256xf32>
    %reduce_sum3A_599 = arith.constant dense<0.000000e+00> : vector<256xf32>
    %reduce_sum3A_600 = vector.multi_reduction <add>, %mul3A_598, %reduce_sum3A_599 [1] : vector<256x256xf32> to vector<256xf32>
    %broadcast_in_dim3A_601 = vector.shape_cast %reduce_sum3A_600 : vector<256xf32> to vector<256x1xf32>
    %slice3A_602 = vector.extract_strided_slice %get3A_21 {offsets = [256, 0], sizes = [256, 3], strides = [1, 1]} : vector<512x3xf32> to vector<256x3xf32>
    %slice3A_603 = vector.extract_strided_slice %get3A_26 {offsets = [256, 0], sizes = [256, 3], strides = [1, 1]} : vector<512x3xf32> to vector<256x3xf32>
    %dot_general3A_604 = arith.constant dense<0.000000e+00> : vector<256x256xf32>
    %dot_general3A_605 = tpu.matmul %slice3A_602, %slice3A_603, %dot_general3A_604 {dimension_numbers = #tpu.dot_dimension_numbers<[1], [1], [0], [0], [0, 0, 1, 0], [], []>, transpose_lhs_hint = false} : vector<256x3xf32>, vector<256x3xf32>, vector<256x256xf32> -> vector<256x256xf32>
    %mul3A_606 = arith.mulf %dot_general3A_605, %convert_element_type3A_72 : vector<256x256xf32>
    %reduce_sum3A_607 = arith.constant dense<0.000000e+00> : vector<256xf32>
    %reduce_sum3A_608 = vector.multi_reduction <add>, %mul3A_606, %reduce_sum3A_607 [1] : vector<256x256xf32> to vector<256xf32>
    %broadcast_in_dim3A_609 = vector.shape_cast %reduce_sum3A_608 : vector<256xf32> to vector<256x1xf32>
    %concatenate3A_610 = tpu.concatenate %broadcast_in_dim3A_601, %broadcast_in_dim3A_609 in 0 : vector<256x1xf32>, vector<256x1xf32> -> vector<512x1xf32>
    %add3A_611 = arith.addf %broadcast_in_dim3A_54, %broadcast_in_dim3A_58 : vector<512x1xf32>
    %mul3A_612 = arith.constant 2.000000e+00 : f32
    %mul3A_613 = vector.broadcast %mul3A_612 : f32 to vector<512x1xf32>
    %mul3A_614 = arith.mulf %mul3A_613, %concatenate3A_610 : vector<512x1xf32>
    %sub3A_615 = arith.subf %add3A_611, %mul3A_614 : vector<512x1xf32>
    %max3A_616 = arith.constant 0.000000e+00 : f32
    %max3A_617 = vector.broadcast %max3A_616 : f32 to vector<512x1xf32>
    %max3A_618 = arith.maximumf %sub3A_615, %max3A_617 : vector<512x1xf32>
    %add3A_619 = arith.constant 9.99999993E-9 : f32
    %add3A_620 = vector.broadcast %add3A_619 : f32 to vector<512x1xf32>
    %add3A_621 = arith.addf %max3A_618, %add3A_620 : vector<512x1xf32>
    %sqrt3A_622 = math.sqrt %add3A_621 : vector<512x1xf32>
    %slice3A_623 = vector.extract_strided_slice %get3A_21 {offsets = [0, 0], sizes = [256, 3], strides = [1, 1]} : vector<512x3xf32> to vector<256x3xf32>
    %slice3A_624 = vector.extract_strided_slice %get3A_31 {offsets = [0, 0], sizes = [256, 3], strides = [1, 1]} : vector<512x3xf32> to vector<256x3xf32>
    %dot_general3A_625 = arith.constant dense<0.000000e+00> : vector<256x256xf32>
    %dot_general3A_626 = tpu.matmul %slice3A_623, %slice3A_624, %dot_general3A_625 {dimension_numbers = #tpu.dot_dimension_numbers<[1], [1], [0], [0], [0, 0, 1, 0], [], []>, transpose_lhs_hint = false} : vector<256x3xf32>, vector<256x3xf32>, vector<256x256xf32> -> vector<256x256xf32>
    %mul3A_627 = arith.mulf %dot_general3A_626, %convert_element_type3A_72 : vector<256x256xf32>
    %reduce_sum3A_628 = arith.constant dense<0.000000e+00> : vector<256xf32>
    %reduce_sum3A_629 = vector.multi_reduction <add>, %mul3A_627, %reduce_sum3A_628 [1] : vector<256x256xf32> to vector<256xf32>
    %broadcast_in_dim3A_630 = vector.shape_cast %reduce_sum3A_629 : vector<256xf32> to vector<256x1xf32>
    %slice3A_631 = vector.extract_strided_slice %get3A_21 {offsets = [256, 0], sizes = [256, 3], strides = [1, 1]} : vector<512x3xf32> to vector<256x3xf32>
    %slice3A_632 = vector.extract_strided_slice %get3A_31 {offsets = [256, 0], sizes = [256, 3], strides = [1, 1]} : vector<512x3xf32> to vector<256x3xf32>
    %dot_general3A_633 = arith.constant dense<0.000000e+00> : vector<256x256xf32>
    %dot_general3A_634 = tpu.matmul %slice3A_631, %slice3A_632, %dot_general3A_633 {dimension_numbers = #tpu.dot_dimension_numbers<[1], [1], [0], [0], [0, 0, 1, 0], [], []>, transpose_lhs_hint = false} : vector<256x3xf32>, vector<256x3xf32>, vector<256x256xf32> -> vector<256x256xf32>
    %mul3A_635 = arith.mulf %dot_general3A_634, %convert_element_type3A_72 : vector<256x256xf32>
    %reduce_sum3A_636 = arith.constant dense<0.000000e+00> : vector<256xf32>
    %reduce_sum3A_637 = vector.multi_reduction <add>, %mul3A_635, %reduce_sum3A_636 [1] : vector<256x256xf32> to vector<256xf32>
    %broadcast_in_dim3A_638 = vector.shape_cast %reduce_sum3A_637 : vector<256xf32> to vector<256x1xf32>
    %concatenate3A_639 = tpu.concatenate %broadcast_in_dim3A_630, %broadcast_in_dim3A_638 in 0 : vector<256x1xf32>, vector<256x1xf32> -> vector<512x1xf32>
    %add3A_640 = arith.addf %broadcast_in_dim3A_54, %broadcast_in_dim3A_62 : vector<512x1xf32>
    %mul3A_641 = arith.constant 2.000000e+00 : f32
    %mul3A_642 = vector.broadcast %mul3A_641 : f32 to vector<512x1xf32>
    %mul3A_643 = arith.mulf %mul3A_642, %concatenate3A_639 : vector<512x1xf32>
    %sub3A_644 = arith.subf %add3A_640, %mul3A_643 : vector<512x1xf32>
    %max3A_645 = arith.constant 0.000000e+00 : f32
    %max3A_646 = vector.broadcast %max3A_645 : f32 to vector<512x1xf32>
    %max3A_647 = arith.maximumf %sub3A_644, %max3A_646 : vector<512x1xf32>
    %add3A_648 = arith.constant 9.99999993E-9 : f32
    %add3A_649 = vector.broadcast %add3A_648 : f32 to vector<512x1xf32>
    %add3A_650 = arith.addf %max3A_647, %add3A_649 : vector<512x1xf32>
    %sqrt3A_651 = math.sqrt %add3A_650 : vector<512x1xf32>
    %slice3A_652 = vector.extract_strided_slice %get3A_21 {offsets = [0, 0], sizes = [256, 3], strides = [1, 1]} : vector<512x3xf32> to vector<256x3xf32>
    %slice3A_653 = vector.extract_strided_slice %get3A_36 {offsets = [0, 0], sizes = [256, 3], strides = [1, 1]} : vector<512x3xf32> to vector<256x3xf32>
    %dot_general3A_654 = arith.constant dense<0.000000e+00> : vector<256x256xf32>
    %dot_general3A_655 = tpu.matmul %slice3A_652, %slice3A_653, %dot_general3A_654 {dimension_numbers = #tpu.dot_dimension_numbers<[1], [1], [0], [0], [0, 0, 1, 0], [], []>, transpose_lhs_hint = false} : vector<256x3xf32>, vector<256x3xf32>, vector<256x256xf32> -> vector<256x256xf32>
    %mul3A_656 = arith.mulf %dot_general3A_655, %convert_element_type3A_72 : vector<256x256xf32>
    %reduce_sum3A_657 = arith.constant dense<0.000000e+00> : vector<256xf32>
    %reduce_sum3A_658 = vector.multi_reduction <add>, %mul3A_656, %reduce_sum3A_657 [1] : vector<256x256xf32> to vector<256xf32>
    %broadcast_in_dim3A_659 = vector.shape_cast %reduce_sum3A_658 : vector<256xf32> to vector<256x1xf32>
    %slice3A_660 = vector.extract_strided_slice %get3A_21 {offsets = [256, 0], sizes = [256, 3], strides = [1, 1]} : vector<512x3xf32> to vector<256x3xf32>
    %slice3A_661 = vector.extract_strided_slice %get3A_36 {offsets = [256, 0], sizes = [256, 3], strides = [1, 1]} : vector<512x3xf32> to vector<256x3xf32>
    %dot_general3A_662 = arith.constant dense<0.000000e+00> : vector<256x256xf32>
    %dot_general3A_663 = tpu.matmul %slice3A_660, %slice3A_661, %dot_general3A_662 {dimension_numbers = #tpu.dot_dimension_numbers<[1], [1], [0], [0], [0, 0, 1, 0], [], []>, transpose_lhs_hint = false} : vector<256x3xf32>, vector<256x3xf32>, vector<256x256xf32> -> vector<256x256xf32>
    %mul3A_664 = arith.mulf %dot_general3A_663, %convert_element_type3A_72 : vector<256x256xf32>
    %reduce_sum3A_665 = arith.constant dense<0.000000e+00> : vector<256xf32>
    %reduce_sum3A_666 = vector.multi_reduction <add>, %mul3A_664, %reduce_sum3A_665 [1] : vector<256x256xf32> to vector<256xf32>
    %broadcast_in_dim3A_667 = vector.shape_cast %reduce_sum3A_666 : vector<256xf32> to vector<256x1xf32>
    %concatenate3A_668 = tpu.concatenate %broadcast_in_dim3A_659, %broadcast_in_dim3A_667 in 0 : vector<256x1xf32>, vector<256x1xf32> -> vector<512x1xf32>
    %add3A_669 = arith.addf %broadcast_in_dim3A_54, %broadcast_in_dim3A_66 : vector<512x1xf32>
    %mul3A_670 = arith.constant 2.000000e+00 : f32
    %mul3A_671 = vector.broadcast %mul3A_670 : f32 to vector<512x1xf32>
    %mul3A_672 = arith.mulf %mul3A_671, %concatenate3A_668 : vector<512x1xf32>
    %sub3A_673 = arith.subf %add3A_669, %mul3A_672 : vector<512x1xf32>
    %max3A_674 = arith.constant 0.000000e+00 : f32
    %max3A_675 = vector.broadcast %max3A_674 : f32 to vector<512x1xf32>
    %max3A_676 = arith.maximumf %sub3A_673, %max3A_675 : vector<512x1xf32>
    %add3A_677 = arith.constant 9.99999993E-9 : f32
    %add3A_678 = vector.broadcast %add3A_677 : f32 to vector<512x1xf32>
    %add3A_679 = arith.addf %max3A_676, %add3A_678 : vector<512x1xf32>
    %sqrt3A_680 = math.sqrt %add3A_679 : vector<512x1xf32>
    %slice3A_681 = vector.extract_strided_slice %get3A_21 {offsets = [0, 0], sizes = [256, 3], strides = [1, 1]} : vector<512x3xf32> to vector<256x3xf32>
    %slice3A_682 = vector.extract_strided_slice %get3A_41 {offsets = [0, 0], sizes = [256, 3], strides = [1, 1]} : vector<512x3xf32> to vector<256x3xf32>
    %dot_general3A_683 = arith.constant dense<0.000000e+00> : vector<256x256xf32>
    %dot_general3A_684 = tpu.matmul %slice3A_681, %slice3A_682, %dot_general3A_683 {dimension_numbers = #tpu.dot_dimension_numbers<[1], [1], [0], [0], [0, 0, 1, 0], [], []>, transpose_lhs_hint = false} : vector<256x3xf32>, vector<256x3xf32>, vector<256x256xf32> -> vector<256x256xf32>
    %mul3A_685 = arith.mulf %dot_general3A_684, %convert_element_type3A_72 : vector<256x256xf32>
    %reduce_sum3A_686 = arith.constant dense<0.000000e+00> : vector<256xf32>
    %reduce_sum3A_687 = vector.multi_reduction <add>, %mul3A_685, %reduce_sum3A_686 [1] : vector<256x256xf32> to vector<256xf32>
    %broadcast_in_dim3A_688 = vector.shape_cast %reduce_sum3A_687 : vector<256xf32> to vector<256x1xf32>
    %slice3A_689 = vector.extract_strided_slice %get3A_21 {offsets = [256, 0], sizes = [256, 3], strides = [1, 1]} : vector<512x3xf32> to vector<256x3xf32>
    %slice3A_690 = vector.extract_strided_slice %get3A_41 {offsets = [256, 0], sizes = [256, 3], strides = [1, 1]} : vector<512x3xf32> to vector<256x3xf32>
    %dot_general3A_691 = arith.constant dense<0.000000e+00> : vector<256x256xf32>
    %dot_general3A_692 = tpu.matmul %slice3A_689, %slice3A_690, %dot_general3A_691 {dimension_numbers = #tpu.dot_dimension_numbers<[1], [1], [0], [0], [0, 0, 1, 0], [], []>, transpose_lhs_hint = false} : vector<256x3xf32>, vector<256x3xf32>, vector<256x256xf32> -> vector<256x256xf32>
    %mul3A_693 = arith.mulf %dot_general3A_692, %convert_element_type3A_72 : vector<256x256xf32>
    %reduce_sum3A_694 = arith.constant dense<0.000000e+00> : vector<256xf32>
    %reduce_sum3A_695 = vector.multi_reduction <add>, %mul3A_693, %reduce_sum3A_694 [1] : vector<256x256xf32> to vector<256xf32>
    %broadcast_in_dim3A_696 = vector.shape_cast %reduce_sum3A_695 : vector<256xf32> to vector<256x1xf32>
    %concatenate3A_697 = tpu.concatenate %broadcast_in_dim3A_688, %broadcast_in_dim3A_696 in 0 : vector<256x1xf32>, vector<256x1xf32> -> vector<512x1xf32>
    %add3A_698 = arith.addf %broadcast_in_dim3A_54, %broadcast_in_dim3A_70 : vector<512x1xf32>
    %mul3A_699 = arith.constant 2.000000e+00 : f32
    %mul3A_700 = vector.broadcast %mul3A_699 : f32 to vector<512x1xf32>
    %mul3A_701 = arith.mulf %mul3A_700, %concatenate3A_697 : vector<512x1xf32>
    %sub3A_702 = arith.subf %add3A_698, %mul3A_701 : vector<512x1xf32>
    %max3A_703 = arith.constant 0.000000e+00 : f32
    %max3A_704 = vector.broadcast %max3A_703 : f32 to vector<512x1xf32>
    %max3A_705 = arith.maximumf %sub3A_702, %max3A_704 : vector<512x1xf32>
    %add3A_706 = arith.constant 9.99999993E-9 : f32
    %add3A_707 = vector.broadcast %add3A_706 : f32 to vector<512x1xf32>
    %add3A_708 = arith.addf %max3A_705, %add3A_707 : vector<512x1xf32>
    %sqrt3A_709 = math.sqrt %add3A_708 : vector<512x1xf32>
    %concatenate3A_710 = tpu.concatenate %slice3A, %slice3A_73, %slice3A_74, %sqrt3A, %sqrt3A_126, %sqrt3A_155, %slice3A_156, %slice3A_157, %slice3A_158, %sqrt3A_187, %sqrt3A_216, %sqrt3A_245, %sqrt3A_274, %sqrt3A_303, %sqrt3A_332, %sqrt3A_361, %sqrt3A_390, %sqrt3A_419, %sqrt3A_448, %sqrt3A_477, %sqrt3A_506, %sqrt3A_535, %sqrt3A_564, %sqrt3A_593, %sqrt3A_622, %sqrt3A_651, %sqrt3A_680, %sqrt3A_709 in 1 : vector<512x1xf32>, vector<512x1xf32>, vector<512x1xf32>, vector<512x1xf32>, vector<512x1xf32>, vector<512x1xf32>, vector<512x1xf32>, vector<512x1xf32>, vector<512x1xf32>, vector<512x1xf32>, vector<512x1xf32>, vector<512x1xf32>, vector<512x1xf32>, vector<512x1xf32>, vector<512x1xf32>, vector<512x1xf32>, vector<512x1xf32>, vector<512x1xf32>, vector<512x1xf32>, vector<512x1xf32>, vector<512x1xf32>, vector<512x1xf32>, vector<512x1xf32>, vector<512x1xf32>, vector<512x1xf32>, vector<512x1xf32>, vector<512x1xf32>, vector<512x1xf32> -> vector<512x28xf32>
    %get3A_711 = arith.constant 0 : index
    %get3A_712 = arith.constant 0 : index
    %get3A_713 = vector.load %arg4[%get3A_711, %get3A_712] : memref<28x128xf32, #tpu.memory_space<vmem>>, vector<28x128xf32>
    %dot_general3A_714 = arith.constant dense<0.000000e+00> : vector<512x128xf32>
    %dot_general3A_715 = tpu.matmul %concatenate3A_710, %get3A_713, %dot_general3A_714 {dimension_numbers = #tpu.dot_dimension_numbers<[1], [0], [0], [1], [0, 0, 1, 1], [], []>, transpose_lhs_hint = false} : vector<512x28xf32>, vector<28x128xf32>, vector<512x128xf32> -> vector<512x128xf32>
    %get3A_716 = arith.constant 0 : index
    %get3A_717 = arith.constant 0 : index
    %get3A_718 = vector.load %arg5[%get3A_716, %get3A_717] : memref<1x128xf32, #tpu.memory_space<vmem>>, vector<1x128xf32>
    %add3A_719 = vector.broadcast %get3A_718 : vector<1x128xf32> to vector<512x128xf32>
    %add3A_720 = arith.addf %dot_general3A_715, %add3A_719 : vector<512x128xf32>
    %ge3A = arith.constant 0.000000e+00 : f32
    %ge3A_721 = vector.broadcast %ge3A : f32 to vector<512x128xf32>
    %ge3A_722 = arith.cmpf oge, %add3A_720, %ge3A_721 : vector<512x128xf32>
    %mul3A_723 = arith.constant 2.000000e-01 : f32
    %mul3A_724 = vector.broadcast %mul3A_723 : f32 to vector<512x128xf32>
    %mul3A_725 = arith.mulf %mul3A_724, %add3A_720 : vector<512x128xf32>
    %select_n3A = arith.select %ge3A_722, %add3A_720, %mul3A_725 : vector<512x128xi1>, vector<512x128xf32>
    %get3A_726 = arith.constant 0 : index
    %get3A_727 = arith.constant 0 : index
    %get3A_728 = vector.load %arg6[%get3A_726, %get3A_727] : memref<128x128xf32, #tpu.memory_space<vmem>>, vector<128x128xf32>
    %dot_general3A_729 = arith.constant dense<0.000000e+00> : vector<512x128xf32>
    %dot_general3A_730 = tpu.matmul %select_n3A, %get3A_728, %dot_general3A_729 {dimension_numbers = #tpu.dot_dimension_numbers<[1], [0], [0], [1], [0, 0, 1, 1], [], []>, transpose_lhs_hint = false} : vector<512x128xf32>, vector<128x128xf32>, vector<512x128xf32> -> vector<512x128xf32>
    %get3A_731 = arith.constant 0 : index
    %get3A_732 = arith.constant 0 : index
    %get3A_733 = vector.load %arg7[%get3A_731, %get3A_732] : memref<1x128xf32, #tpu.memory_space<vmem>>, vector<1x128xf32>
    %add3A_734 = vector.broadcast %get3A_733 : vector<1x128xf32> to vector<512x128xf32>
    %add3A_735 = arith.addf %dot_general3A_730, %add3A_734 : vector<512x128xf32>
    %ge3A_736 = arith.constant 0.000000e+00 : f32
    %ge3A_737 = vector.broadcast %ge3A_736 : f32 to vector<512x128xf32>
    %ge3A_738 = arith.cmpf oge, %add3A_735, %ge3A_737 : vector<512x128xf32>
    %mul3A_739 = arith.constant 2.000000e-01 : f32
    %mul3A_740 = vector.broadcast %mul3A_739 : f32 to vector<512x128xf32>
    %mul3A_741 = arith.mulf %mul3A_740, %add3A_735 : vector<512x128xf32>
    %select_n3A_742 = arith.select %ge3A_738, %add3A_735, %mul3A_741 : vector<512x128xi1>, vector<512x128xf32>
    %get3A_743 = arith.constant 0 : index
    %get3A_744 = arith.constant 0 : index
    %get3A_745 = vector.load %arg3[%get3A_743, %get3A_744] : memref<512x256xf32, #tpu.memory_space<vmem>>, vector<512x256xf32>
    %get3A_746 = arith.constant 0 : index
    %get3A_747 = arith.constant 0 : index
    %get3A_748 = vector.load %arg8[%get3A_746, %get3A_747] : memref<256x512xf32, #tpu.memory_space<vmem>>, vector<256x512xf32>
    %dot_general3A_749 = arith.constant dense<0.000000e+00> : vector<512x512xf32>
    %dot_general3A_750 = tpu.matmul %get3A_745, %get3A_748, %dot_general3A_749 {dimension_numbers = #tpu.dot_dimension_numbers<[1], [0], [0], [1], [0, 0, 1, 1], [], []>, transpose_lhs_hint = false} : vector<512x256xf32>, vector<256x512xf32>, vector<512x512xf32> -> vector<512x512xf32>
    %get3A_751 = arith.constant 0 : index
    %get3A_752 = arith.constant 0 : index
    %get3A_753 = vector.load %arg9[%get3A_751, %get3A_752] : memref<128x512xf32, #tpu.memory_space<vmem>>, vector<128x512xf32>
    %dot_general3A_754 = arith.constant dense<0.000000e+00> : vector<512x512xf32>
    %dot_general3A_755 = tpu.matmul %select_n3A_742, %get3A_753, %dot_general3A_754 {dimension_numbers = #tpu.dot_dimension_numbers<[1], [0], [0], [1], [0, 0, 1, 1], [], []>, transpose_lhs_hint = false} : vector<512x128xf32>, vector<128x512xf32>, vector<512x512xf32> -> vector<512x512xf32>
    %add3A_756 = arith.addf %dot_general3A_750, %dot_general3A_755 : vector<512x512xf32>
    %get3A_757 = arith.constant 0 : index
    %get3A_758 = arith.constant 0 : index
    %get3A_759 = vector.load %arg10[%get3A_757, %get3A_758] : memref<1x512xf32, #tpu.memory_space<vmem>>, vector<1x512xf32>
    %add3A_760 = vector.broadcast %get3A_759 : vector<1x512xf32> to vector<512x512xf32>
    %add3A_761 = arith.addf %add3A_756, %add3A_760 : vector<512x512xf32>
    %ge3A_762 = arith.constant 0.000000e+00 : f32
    %ge3A_763 = vector.broadcast %ge3A_762 : f32 to vector<512x512xf32>
    %ge3A_764 = arith.cmpf oge, %add3A_761, %ge3A_763 : vector<512x512xf32>
    %mul3A_765 = arith.constant 2.000000e-01 : f32
    %mul3A_766 = vector.broadcast %mul3A_765 : f32 to vector<512x512xf32>
    %mul3A_767 = arith.mulf %mul3A_766, %add3A_761 : vector<512x512xf32>
    %select_n3A_768 = arith.select %ge3A_764, %add3A_761, %mul3A_767 : vector<512x512xi1>, vector<512x512xf32>
    %swap3A = arith.constant 0 : index
    %swap3A_769 = arith.constant 0 : index
    %swap3A_770 = vector.load %arg11[%swap3A, %swap3A_769] : memref<512x512xf32, #tpu.memory_space<vmem>>, vector<512x512xf32>
    tpu.vector_store %arg11[%swap3A, %swap3A_769], %select_n3A_768 {strides = array<i32>} : memref<512x512xf32, #tpu.memory_space<vmem>>, vector<512x512xf32>,
    return
  }
  func.func @transform_0(%arg0: i32) -> (i32, i32, i32) {
    %c0_i32 = arith.constant 0 : i32
    %c0_i32_0 = arith.constant 0 : i32
    %c0_i32_1 = arith.constant 0 : i32
    return %c0_i32, %arg0, %c0_i32_0 : i32, i32, i32
  }
  func.func @transform_1(%arg0: i32) -> (i32, i32) {
    %c0_i32 = arith.constant 0 : i32
    %c0_i32_0 = arith.constant 0 : i32
    return %arg0, %c0_i32 : i32, i32
  }
  func.func @transform_2(%arg0: i32) -> (i32, i32) {
    %c0_i32 = arith.constant 0 : i32
    %c0_i32_0 = arith.constant 0 : i32
    return %arg0, %c0_i32 : i32, i32
  }
  func.func @transform_3(%arg0: i32) -> (i32, i32) {
    %c0_i32 = arith.constant 0 : i32
    %c0_i32_0 = arith.constant 0 : i32
    %c0_i32_1 = arith.constant 0 : i32
    return %c0_i32, %c0_i32_0 : i32, i32
  }
  func.func @transform_4(%arg0: i32) -> (i32, i32) {
    %c0_i32 = arith.constant 0 : i32
    %c0_i32_0 = arith.constant 0 : i32
    %c0_i32_1 = arith.constant 0 : i32
    return %c0_i32, %c0_i32_0 : i32, i32
  }
  func.func @transform_5(%arg0: i32) -> (i32, i32) {
    %c0_i32 = arith.constant 0 : i32
    %c0_i32_0 = arith.constant 0 : i32
    %c0_i32_1 = arith.constant 0 : i32
    return %c0_i32, %c0_i32_0 : i32, i32
  }
  func.func @transform_6(%arg0: i32) -> (i32, i32) {
    %c0_i32 = arith.constant 0 : i32
    %c0_i32_0 = arith.constant 0 : i32
    %c0_i32_1 = arith.constant 0 : i32
    return %c0_i32, %c0_i32_0 : i32, i32
  }
  func.func @transform_7(%arg0: i32) -> (i32, i32) {
    %c0_i32 = arith.constant 0 : i32
    %c0_i32_0 = arith.constant 0 : i32
    %c0_i32_1 = arith.constant 0 : i32
    return %c0_i32, %c0_i32_0 : i32, i32
  }
  func.func @transform_8(%arg0: i32) -> (i32, i32) {
    %c0_i32 = arith.constant 0 : i32
    %c0_i32_0 = arith.constant 0 : i32
    %c0_i32_1 = arith.constant 0 : i32
    return %c0_i32, %c0_i32_0 : i32, i32
  }
  func.func @transform_9(%arg0: i32) -> (i32, i32) {
    %c0_i32 = arith.constant 0 : i32
    %c0_i32_0 = arith.constant 0 : i32
    %c0_i32_1 = arith.constant 0 : i32
    return %c0_i32, %c0_i32_0 : i32, i32
  }
  func.func @transform_10(%arg0: i32) -> (i32, i32) {
    %c0_i32 = arith.constant 0 : i32
    %c0_i32_0 = arith.constant 0 : i32
    return %arg0, %c0_i32 : i32, i32
  }
}

</mosaic_0001>

<sc_bundles>
// kernel: kernel.5.cloned.1.call-start
scs
__scs_entry_jumppad:
0x0: {  	(pc) =	sbr.rel $0x88, $3  }
0x1: {  	(tag) =	ssettag $0x0;
	lr =	simm.s32 $0x1  }
0x2: {  	[smem:$0x3F99] =	sst lr;
	_ =	strace $0xD0000000  }
0x3: {  	_ = 	snop  }
0x4: {  	_ = 	snop  }
0x5: {  	_ = 	snop  }
0x6: {  	_ = 	snop  }
0x7: {  	_ = 	snop  }
__scs_overlays_trampoline_lowered:
0x8: {  	[smem:$0x3FA8] =	sst s0  }
0x9: {  	[smem:$0x3FA9] =	sst s1  }
0xa: {  	[smem:$0x3FAA] =	sst s2  }
0xb: {  	[smem:$0x3FAB] =	sst s3  }
0xc: {  	[smem:$0x3FAC] =	sst s4  }
0xd: {  	[smem:$0x3FAD] =	sst s5  }
0xe: {  	[smem:$0x3FAE] =	sst s6  }
0xf: {  	[smem:$0x3FAF] =	sst s7  }
0x10: {  	[smem:$0x3FB0] =	sst s8  }
0x11: {  	[smem:$0x3FB1] =	sst s9;
	s0 =	simm.s32 @!p0 $0x0  }
0x12: {  	s1 =	sld [smem:$0x3F97];
	s0 =	simm.s32 @p0 $0x1  }
0x13: {  	[smem:$0x3FB2] =	sst s0;
	s0 =	simm.s32 @!p1 $0x0  }
0x14: {  	s2 =	sld [smem:$0x3F96];
	s0 =	simm.s32 @p1 $0x1  }
0x15: {  	[smem:$0x3FB3] =	sst s0;
	s0 =	simm.s32 @!p2 $0x0  }
0x16: {  	s3 =	sld [smem:$0x3FDB];
	s0 =	simm.s32 @p2 $0x1  }
0x17: {  	s4 =	simm.s32 $0x1BF5;
	[smem:$0x3FB5] =	sst s0  }
0x18: {  	s0 =	sld [smem:$0x3F98];
	_ =	swait.ge [sflag:s4], $0x0  }
0x19: {  	s7 =	sld [smem:$0x3F99]  }
0x1a: {  	s8 =	sadd.s32 $0xFFFFE003, lr  }
0x1b: {  	s9 =	sadd.s32 $0xFFFFFEF7, lr;
	s5 =	simm.s32 $0xFFFFFFFF;
	p2 =	slt.u32 s8, $0xFFFFF086  }
0x1c: {  	p1 =	slt.u32 s9, $0xF7A;
	s5 =	simm.s32 @!p2 $0x0  }
0x1d: {  	s5 =	simm.s32 @p1 $0x1;
	p0 =	seq.s32 s7, s2  }
0x1e: {  	s7 =	smul.u32 @!p0 $0xF7A, s2;
	p2 =	seq.s32 @!p0 s5, $0x0  }
0x1f: {  	s9 =	smul.u32 $0xF7A, s1;
	s8 =	simm.s32 @!p0 $0x1BF5;
	p2 =	por !p2, p0  }
0x20: {  	[sflag:s8] =	ssyncset.s32 @!p0 $0xFFFFF086;
	s6 =	sadd.s32 @!p0 s3, s7;
	s7 =	simm.s32 @!p0 $0x108  }
0x21: {  	s3 =	sadd.s32 s3, s9;
	s6 =	sadd.s32 @!p0 $0x88, s6;
	s7 =	simm.s32 @p2 $0x1082  }
0x22: {  	[simem:s7], [sflag:s8] =	dma.local @!p0 [hbm:s6], $0xF7A  }
0x23: {  	s9 =	sor.u32 $0xD0000000, s2;
	s6 =	simm.s32 $0x108;
	_ =	swait.ge @!p0 [sflag:s8], $0x0  }
0x24: {  	s3 =	sadd.s32 $0x88, s3;
	s6 =	simm.s32 @!p1 $0x1082;
	[sflag:s4] =	ssyncset.s32 $0xFFFFF086  }
0x25: {  	[simem:s6], [sflag:s4] =	dma.local [hbm:s3], $0xF7A  }
0x26: {  	[smem:$0x3F99] =	sst s1;
	(tag) =	ssettag s2;
	_ =	strace s9  }
0x27: {  	s1 =	sld [smem:$0x3FA9]  }
0x28: {  	s2 =	sld [smem:$0x3FAA]  }
0x29: {  	s4 =	sld [smem:$0x3FAC]  }
0x2a: {  	p0 =	seq.s32 s5, $0x0;
	s5 =	sld [smem:$0x3FAD]  }
0x2b: {  	s6 =	sld [smem:$0x3FAE]  }
0x2c: {  	s7 =	sld [smem:$0x3FAF]  }
0x2d: {  	s3 =	simm.s32 $0x108;
	s8 =	sld [smem:$0x3FB0]  }
0x2e: {  	s3 =	simm.s32 @!p0 $0x1082;
	s9 =	sld [smem:$0x3FB1]  }
0x2f: {  	lr =	sadd.s32 s0, s3;
	s0 =	sld [smem:$0x3FA8]  }
0x30: {  	s3 =	sld [smem:$0x3FAB]  }
0x31: {  	[smem:$0x3FB4] =	sst s10  }
0x32: {  	s10 =	sld [smem:$0x3FB2];
	_ =	sdelay $0x3  }
0x33: {  	p0 =	seq.s32 s10, $0x1;
	s10 =	sld [smem:$0x3FB4];
	_ =	sdelay $0x3  }
0x34: {  	[smem:$0x3FB4] =	sst s10  }
0x35: {  	s10 =	sld [smem:$0x3FB3];
	_ =	sdelay $0x3  }
0x36: {  	p1 =	seq.s32 s10, $0x1;
	s10 =	sld [smem:$0x3FB4];
	_ =	sdelay $0x3  }
0x37: {  	[smem:$0x3FB4] =	sst s10  }
0x38: {  	s10 =	sld [smem:$0x3FB5]  }
0x39: {  	_ = 	snop;
	(pc) =	sbr.ind lr, $3  }
0x3a: {  	_ = 	snop  }
0x3b: {  	_ = 	snop  }
0x3c: {  	p2 =	seq.s32 s10, $0x1;
	s10 =	sld [smem:$0x3FB4]  }
0x3d: {  	_ =	shalt  }
0x3e: {  	_ =	shalt  }
0x3f: {  	_ =	shalt  }
0x40: {  	_ =	shalt  }
0x41: {  	_ =	shalt  }
0x42: {  	_ =	shalt  }
0x43: {  	_ =	shalt  }
0x44: {  	_ =	shalt  }
0x45: {  	_ =	shalt  }
0x46: {  	_ =	shalt  }
0x47: {  	_ =	shalt  }
0x48: {  	_ =	shalt  }
0x49: {  	_ =	shalt  }
0x4a: {  	_ =	shalt  }
0x4b: {  	_ =	shalt  }
0x4c: {  	_ =	shalt  }
0x4d: {  	_ =	shalt  }
0x4e: {  	_ =	shalt  }
0x4f: {  	_ =	shalt  }
0x50: {  	_ =	shalt  }
0x51: {  	_ =	shalt  }
0x52: {  	_ =	shalt  }
0x53: {  	_ =	shalt  }
0x54: {  	_ =	shalt  }
0x55: {  	_ =	shalt  }
0x56: {  	_ =	shalt  }
0x57: {  	_ =	shalt  }
0x58: {  	_ =	shalt  }
0x59: {  	_ =	shalt  }
0x5a: {  	_ =	shalt  }
0x5b: {  	_ =	shalt  }
0x5c: {  	_ =	shalt  }
0x5d: {  	_ =	shalt  }
0x5e: {  	_ =	shalt  }
0x5f: {  	_ =	shalt  }
0x60: {  	_ =	shalt  }
0x61: {  	_ =	shalt  }
0x62: {  	_ =	shalt  }
0x63: {  	_ =	shalt  }
0x64: {  	_ =	shalt  }
0x65: {  	_ =	shalt  }
0x66: {  	_ =	shalt  }
0x67: {  	_ =	shalt  }
0x68: {  	_ =	shalt  }
0x69: {  	_ =	shalt  }
0x6a: {  	_ =	shalt  }
0x6b: {  	_ =	shalt  }
0x6c: {  	_ =	shalt  }
0x6d: {  	_ =	shalt  }
0x6e: {  	_ =	shalt  }
0x6f: {  	_ =	shalt  }
0x70: {  	_ =	shalt  }
0x71: {  	_ =	shalt  }
0x72: {  	_ =	shalt  }
0x73: {  	_ =	shalt  }
0x74: {  	_ =	shalt  }
0x75: {  	_ =	shalt  }
0x76: {  	_ =	shalt  }
0x77: {  	_ =	shalt  }
0x78: {  	_ =	shalt  }
0x79: {  	_ =	shalt  }
0x7a: {  	_ =	shalt  }
0x7b: {  	_ =	shalt  }
0x7c: {  	_ =	shalt  }
0x7d: {  	_ =	shalt  }
0x7e: {  	_ =	shalt  }
0x7f: {  	_ =	shalt  }
0x80: {  	_ =	shalt  }
0x81: {  	_ =	shalt  }
0x82: {  	_ =	shalt  }
0x83: {  	_ =	shalt  }
0x84: {  	_ =	shalt  }
0x85: {  	_ =	shalt  }
0x86: {  	_ =	shalt  }
0x87: {  	_ =	shalt  }
.Lfunc_end0:
.L_simem_size_0:
called_computation_lowered:
.L_overlay_start_0:
0x88: {  	s2 =	sld [smem:$0x3FD9]  }
0x89: {  	s3 =	sld [smem:$0x3FFE];
	_ =	sdelay $0x1  }
0x8a: {  	s1 =	srdreg.scid  }
0x8b: {  	s0 =	sand.u32 $0x1, s1  }
0x8c: {  	s17 =	sshll.u32 s0, $0xA;
	s2 =	sadd.s32 s3, s2  }
0x8d: {  	s2 =	sadd.s32 s2, s17  }
0x8e: {  	[smem:$0x3FC0] =	sst s2  }
0x8f: {  	_ = 	snop  }
0x90: {  	s2 =	sld [smem:$0x3FD0];
	(tm) =	ssettm $0x1  }
0x91: {  	s18 =	sld [smem:$0x3FFB];
	_ =	sdelay $0x3  }
0x92: {  	_ =	strace s18  }
0x93: {  	s3 =	sld [smem:$0x3FFC];
	_ =	sdelay $0x3  }
0x94: {  	_ =	strace s3  }
0x95: {  	s3 =	sld [smem:$0x3FFD];
	_ =	sdelay $0x3  }
0x96: {  	_ =	strace s3  }
0x97: {  	_ =	strace $0x8FFFFFFF  }
0x98: {  	s19 =	sld [smem:$0x3FDB];
	_ =	sdelay $0x1  }
0x99: {  	s4 =	simm.s32 $_scs_section_size  }
0x9a: {  	s5 =	simm.s32 $_size__tile_overlayer_lowered;
	s6 =	simm.s32 $_tile_overlayer_lowered  }
0x9b: {  	s22 =	simm.s32 $0x1BFF;
	s21 =	sshll.u32 s6, $0x1;
	s3 =	sadd.s32 s4, s19  }
0x9c: {  	s7 =	simm.s32 $0x0;
	s20 =	sshll.u32 s5, $0x1;
	s5 =	sadd.s32 s21, s3  }
0x9d: {  	[timem:s7], [sflag:s22] =	dma.local [hbm:s5], s20  }
0x9e: {  	_ =	swait.ge [sflag:s22], s20  }
0x9f: {  	s4 =	ssub.s32 $0x0, s20;
	[sflag:s22] =	ssyncset.done $0x0  }
0xa0: {  	[sflag:s22] =	ssyncadd.s32 s4;
	_ =	sdelay $0x1  }
0xa1: {  	s23 =	simm.s32 $0x1B8B  }
0xa2: {  	_ =	swait.ge [sflag:s23], $0x1  }
0xa3: {  	[sflag:s23] =	ssyncset.done $0x0  }
0xa4: {  	s25 =	simm.s32 $0x1B8E;
	s24 =	sld [smem:$0x3FFE];
	[sflag:s23] =	ssyncadd.s32 $0xFFFFFFFF  }
0xa5: {  	s26 =	simm.s32 $execute0_lowered;
	[smem:$0x3FD2] =	sst s25  }
0xa6: {  	s5 =	sshll.u32 s26, $0x1;
	_ =	strace $0x80000046;
	[dreg:$0x1] =	wrdreg $0xFFFFFFFF  }
0xa7: {  	s28 =	simm.s32 $_size_execute0_lowered;
	s3 =	sadd.s32 s3, s5;
	[dreg:$0x0] =	wrdreg $0x0  }
0xa8: {  	s5 =	sshll.u32 s28, $0x1;
	[dreg:$0x2] =	wrdreg s3  }
0xa9: {  	[dreg:$0x3] =	wrdreg s5  }
0xaa: {  	[dreg:$0x4] =	wrdreg $0xC0  }
0xab: {  	_ =	task [dreg:s7], $0x5FFFF  }
0xac: {  	[dreg:$0x1] =	wrdreg $0xFFFFFFFF  }
0xad: {  	[dreg:$0x0] =	wrdreg $0x60  }
0xae: {  	[dreg:$0x2] =	wrdreg s2  }
0xaf: {  	[dreg:$0x3] =	wrdreg s24  }
0xb0: {  	[dreg:$0x4] =	wrdreg $0x9  }
0xb1: {  	_ =	task.clear_ibuf [dreg:s7], $0x5FFFF;
	_ =	strace $0x90000046  }
0xb2: {  	s29 =	simm.s32 $0x9;
	_ =	strace $0x80000048  }
0xb3: {  	_ =	swait.ge [sflag:s29], $0x1  }
0xb4: {  	[sflag:s29] =	ssyncadd.s32 $0xFFFFFFFF  }
0xb5: {  	_ =	strace $0x90000048  }
0xb6: {  	_ =	sfence  }
0xb7: {  	s30 =	sld [smem:$0x0];
	_ =	sdelay $0x2  }
0xb8: {  	s31 =	sshll.u32 s1, $0xD;
	s1 =	sshrl.u32 s1, $0x2  }
0xb9: {  	s3 =	sand.u32 $0x4000, s31;
	s1 =	sadd.s32 s1, s30  }
0xba: {  	s0 =	sor.u32 s3, s0;
	s1 =	sshll.u32 s1, $0x11  }
0xbb: {  	s0 =	sor.u32 s1, s0  }
0xbc: {  	s0 =	sadd.s32 $0x8F2B, s0  }
0xbd: {  	[sflag:s0] =	ssyncadd.remote.s32 $0x1  }
0xbe: {  	_ =	sfence.sel $0xFFFF  }
0xbf: {  	[dreg:$0x0] =	wrdreg $0xFFFFFFFF;
	(pc) =	sbr.abs _section_cstart, $3  }
0xc0: {  	[dreg:$0x1] =	wrdreg $0xFFFFFFFF  }
0xc1: {  	_ =	task.clear_ibuf [dreg:s7], $0x2FFFF;
	_ =	strace $0x9FFFFFFF  }
0xc2: {  	(tm) =	ssettm $0x7FFFFFFF  }
0xc3: {  	_ =	shalt  }
tec
execute0_lowered:
.L_overlay_start_1:
0x0: {  	(tag) =	ssettag $0x1  }
0x1: {  	s1 =	srdreg.scid  }
0x2: {  	s0 =	stileid.u32;
	s6 =	sand.u32 $0x1, s1  }
0x3: {  	s2 =	rddreg [dreg:$0x0];
	s30 =	sshll.u32 s0, $0xA;
	s3 =	sshll.u32 s6, $0x9  }
0x4: {  	s8 =	rddreg [dreg:$0x1];
	s7 =	simm.s32 $0x1;
	s9 =	sor.u32 s3, s30  }
0x5: {  	s1 =	rddreg [dreg:$0x2];
	s3 =	simm.s32 $0x0;
	s4 =	sshrl.u32 s9, $0x3  }
0x6: {  	s10 =	ssub.s32 $0x2, s6;
	[smem:$0x7FF] =	sst s3;
	s4 =	sadd.s32 s4, s8  }
0x7: {  	_ =	strace $0x80000047;
	s5 =	sadd.s32 $0x1400, s4;
	s4 =	simm.s32 $0x2  }
0x8: {  	[tilespmem:s3], [sflag:$0x2] =	stream.linear.gather [hbm4b:s5+s3], $0x200, $0x38;
	[tilespmem:$0x10200] =	vst v63  }
0x9: {  	s6 =	simm.s32 $0x200;
	s11 =	sshrl.u32 s10, $0x1;
	_ =	swait.ge [sflag:s4], $0x200  }
0xa: {  	s9 =	sshll.u32 s9, $0x4;
	s31 =	ssub.s32 s10, s11;
	[sflag:s4] =	ssyncset.done $0x0  }
0xb: {  	s8 =	sadd.s32 s9, s8;
	s9 =	smax.u32 s31, $0x1;
	[sflag:s4] =	ssyncadd.s32 $0xFFFFFE00  }
0xc: {  	[tilespmem:s6], [sflag:$0x1] =	stream.indirect.gather [hbm4b:s2+s6], $0x80, s3, s6, $0xb8;
	[tilespmem:$0x10200] =	vst v63  }
0xd: {  	p0 =	sne.s32 s9, $0x1;
	_ =	swait.ge [sflag:s7], $0x10000  }
.Ltmp0:
0xe: {  	[sflag:s7] =	ssyncset.done $0x0;
	(pc) =	sbr.rel @!p0 .LBB2_2-.Ltmp0, $4  }
0xf: {  	s8 =	sadd.s32 $0x1C00, s8;
	[sflag:s7] =	ssyncadd.s32 $0xFFFF0000  }
0x10: {  	[hbm4b:s8+s3] =	stream.linear.scatter [tilespmem:s6], [sflag:$0x2], $0x10000, $0x38;
	[tilespmem:$0x10200] =	vst v63  }
0x11: {  	_ =	swait.ge [sflag:s4], $0x10000  }
0x12: {  	s9 =	sadd.s32 $0xFFFFFFFF, s9;
	[sflag:s4] =	ssyncset.done $0x0  }
.LBB2_1:
0x13: {  	p0 =	sne.s32 s9, $0x1;
	s9 =	sadd.s32 $0xFFFFFFFF, s9;
	[sflag:s4] =	ssyncadd.s32 $0xFFFF0000  }
0x14: {  	[tilespmem:s3], [sflag:$0x2] =	stream.linear.gather [hbm4b:s5+s3], $0x200, $0x38;
	[tilespmem:$0x10200] =	vst v63  }
0x15: {  	_ =	swait.ge [sflag:s4], $0x200  }
0x16: {  	[sflag:s4] =	ssyncset.done $0x0  }
0x17: {  	[sflag:s4] =	ssyncadd.s32 $0xFFFFFE00  }
0x18: {  	[tilespmem:s6], [sflag:$0x1] =	stream.indirect.gather [hbm4b:s2+s6], $0x80, s3, s6, $0xb8;
	[tilespmem:$0x10200] =	vst v63  }
0x19: {  	_ =	swait.ge [sflag:s7], $0x10000  }
.Ltmp1:
0x1a: {  	[sflag:s7] =	ssyncset.done $0x0;
	(pc) =	sbr.rel @p0 .LBB2_1-.Ltmp1, $4  }
0x1b: {  	[sflag:s7] =	ssyncadd.s32 $0xFFFF0000  }
0x1c: {  	[hbm4b:s8+s3] =	stream.linear.scatter [tilespmem:s6], [sflag:$0x2], $0x10000, $0x38;
	[tilespmem:$0x10200] =	vst v63  }
0x1d: {  	_ =	swait.ge [sflag:s4], $0x10000  }
0x1e: {  	[sflag:s4] =	ssyncset.done $0x0  }
.LBB2_2:
0x1f: {  	[sflag:s4] =	ssyncadd.s32 $0xFFFF0000  }
0x20: {  	_ =	sfence.sel $0x180000  }
0x21: {  	[bflag:$0x0] =	sbarrier.arrive $0xFFFF  }
0x22: {  	p0 =	sne.s32 s0, $0x0;
	_ =	strace $0x90000047  }
0x23: {  	s0 =	sadd.s32 @!p0 $0x100000, s1;
	[bflag:$0x2] =	sbarrier.arrive $0xFFFF  }
0x24: {  	[sflag:s0] =	ssyncadd.tile.s32 @!p0 $0x1;
	_ =	shalt  }
.Lfunc_end2:
_tile_overlayer_lowered:
.L_overlay_start_2:
0x25: {  	(tag) =	ssettag $0x2  }
0x26: {  	s0 =	rddreg [dreg:$0x0];
	s2 =	stileid.u32  }
0x27: {  	s1 =	rddreg [dreg:$0x1];
	p0 =	sne.s32 s2, $0x0  }
0x28: {  	s3 =	rddreg [dreg:$0x2];
	[bflag:$0x3] =	sbarrier.arrive $0xFFFF;
	s2 =	simm.s32 @!p0 $0x1C02  }
0x29: {  	[timem:s3], [sflag:s2] =	dma.local @!p0 [hbm:s0], s1  }
0x2a: {  	s0 =	simm.s32 @!p0 $0x2  }
0x2b: {  	_ =	swait.ge @!p0 [sflag:s0], s1  }
0x2c: {  	s1 =	ssub.s32 @!p0 $0x0, s1;
	[sflag:s0] =	ssyncset.done @!p0 $0x0  }
0x2d: {  	[sflag:s0] =	ssyncadd.s32 @!p0 s1  }
0x2e: {  	[bflag:$0x3] =	sbarrier.arrive $0xFFFF  }
0x2f: {  	_ =	shalt  }

</sc_bundles>
